<compile_context>
chip_gen: v7x
topology: tpu7x:2x2x1
jax: 0.10.2.dev20260603
libtpu: 0.0.44.dev20260713+nightly
codegen_flags: <defaults>
</compile_context>

<pallas_src>
import functools

import jax
import jax.numpy as jnp
from jax import lax
from jax.experimental import pallas as pl
from jax.experimental.pallas import tpu as pltpu
from jax.experimental.pallas import tpu_sc as plsc

_VOCAB = 100000
_EMBED = 64
_HIDDEN = 128
_BATCH = 16384
_TOK = 819200

_BK = 4096
_NBK = 25
_NBINS = _NBK * _BK
_NCORE = 2
_NSUB = 16
_TOK_PER_TILE = _TOK // _NSUB
_HIST_CHUNK = 5120
_HIST_NCHUNK = _TOK_PER_TILE // _HIST_CHUNK
_HEAD_PER_W = _BATCH // (_NCORE * _NSUB)
_HEAD_SUB = 128
_SLICE = _NBINS // _NSUB

_BR = 1024
_NBR = _BATCH // _BR


def _sc_body(bow1_hbm, bow2_hbm, table_hbm, g_hbm, counts_hbm,
             cnt_sh, zb_v, ones_v, tok_v, hidx_v, rows0_v, rows1_v,
             sem0, sem1):
    c = lax.axis_index("c")
    s = lax.axis_index("s")

    zeros16 = jnp.zeros((16,), jnp.float32)
    ones16 = jnp.full((16,), 1.0, jnp.float32)

    def _zero(i, carry):
        zb_v[pl.ds(i * 16, 16)] = zeros16
        ones_v[pl.ds(i * 16, 16)] = ones16
        return carry
    lax.fori_loop(0, _SLICE // 16, _zero, 0)
    pltpu.sync_copy(zb_v, cnt_sh.at[pl.ds(s * _SLICE, _SLICE)])
    plsc.subcore_barrier()

    base = s * _TOK_PER_TILE
    for chunk in range(_HIST_NCHUNK):
        sl = pl.ds(base + chunk * _HIST_CHUNK, _HIST_CHUNK)

        @pl.when(c == 0)
        def _():
            pltpu.sync_copy(bow1_hbm.at[sl], tok_v)

        @pl.when(c == 1)
        def _():
            pltpu.sync_copy(bow2_hbm.at[sl], tok_v)

        pltpu.sync_copy(ones_v.at[pl.ds(0, _HIST_CHUNK)],
                        cnt_sh.at[tok_v], add=True)
    plsc.subcore_barrier()
    pltpu.sync_copy(cnt_sh.at[pl.ds(s * _SLICE, _SLICE)],
                    counts_hbm.at[c, pl.ds(s * _SLICE, _SLICE)])

    w = c * _NSUB + s
    bufs = (rows0_v, rows1_v)
    sems = (sem0, sem1)
    nch = _HEAD_PER_W // _HEAD_SUB
    chunks = [(b, k) for b in range(2) for k in range(nch)]

    def _r0(b, k):
        return w * _HEAD_PER_W + k * _HEAD_SUB

    def _fire(i):
        b, k = chunks[i]
        bow_hbm = (bow1_hbm, bow2_hbm)[b]
        pltpu.sync_copy(bow_hbm.at[pl.ds(_r0(b, k), _HEAD_SUB)], hidx_v)
        return pltpu.async_copy(table_hbm.at[hidx_v], bufs[i % 2],
                                sems[i % 2])

    pend = _fire(0)
    for i in range(len(chunks)):
        cur = pend
        bi, ki = chunks[i]
        if i + 1 < len(chunks):
            cur.wait()
            pend = _fire(i + 1)
        else:
            cur.wait()
        pltpu.sync_copy(bufs[i % 2],
                        g_hbm.at[bi, pl.ds(_r0(bi, ki), _HEAD_SUB)])


@functools.cache
def _make_sc_kernel():
    return functools.partial(
        pl.kernel,
        out_type=[
            jax.ShapeDtypeStruct((2, _BATCH, _EMBED), jnp.float32),
            jax.ShapeDtypeStruct((2, _NBINS), jnp.float32),
        ],
        mesh=plsc.VectorSubcoreMesh(core_axis_name="c", subcore_axis_name="s"),
        compiler_params=pltpu.CompilerParams(needs_layout_passes=False,
                                             use_tc_tiling_on_sc=False),
        scratch_types=[
            pltpu.VMEM_SHARED((_NBINS,), jnp.float32),
            pltpu.VMEM((_SLICE,), jnp.float32),
            pltpu.VMEM((_SLICE,), jnp.float32),
            pltpu.VMEM((_HIST_CHUNK,), jnp.int32),
            pltpu.VMEM((_HEAD_SUB,), jnp.int32),
            pltpu.VMEM((_HEAD_SUB, _EMBED), jnp.float32),
            pltpu.VMEM((_HEAD_SUB, _EMBED), jnp.float32),
            pltpu.SemaphoreType.DMA,
            pltpu.SemaphoreType.DMA,
        ],
    )(_sc_body)


def _tc_tail_body(counts_ref, tableT_ref, tailT_ref, out_ref, acc_ref):
    j = pl.program_id(0)

    @pl.when(j == 0)
    def _():
        acc_ref[...] = jnp.zeros_like(acc_ref)

    tbl = jnp.where(j == _NBK - 1, tailT_ref[...], tableT_ref[...])
    acc_ref[...] += lax.dot_general(counts_ref[...], tbl,
                                    (((1,), (1,)), ((), ())),
                                    precision=lax.Precision.HIGHEST,
                                    preferred_element_type=jnp.float32)

    @pl.when(j == _NBK - 1)
    def _():
        out_ref[...] = acc_ref[...]


def _tc_mlp_body(g1_ref, g2_ref, tails_ref, w1_ref, b1_ref, w2_ref, b2_ref,
                 out_ref, s_ref):
    i = pl.program_id(0)

    @pl.when(i == 0)
    def _():
        s_ref[...] = jnp.zeros_like(s_ref)

    g1 = g1_ref[0]
    g2 = g2_ref[0]
    s1 = s_ref[0:1, :] + jnp.sum(g1, axis=0, keepdims=True)
    s2 = s_ref[1:2, :] + jnp.sum(g2, axis=0, keepdims=True)
    s_ref[0:1, :] = s1
    s_ref[1:2, :] = s2

    x = jnp.concatenate([g1, g2], axis=1)

    is_last = (i == _NBR - 1)
    fix1 = tails_ref[0:1, :] - (s1 - g1[_BR - 1:_BR, :])
    fix2 = tails_ref[1:2, :] - (s2 - g2[_BR - 1:_BR, :])
    fix = jnp.concatenate([fix1, fix2], axis=1)
    row = lax.broadcasted_iota(jnp.int32, (_BR, 1), 0)
    mask = (row == _BR - 1) & is_last
    x = jnp.where(mask, fix, x)

    fc1 = lax.dot_general(x, w1_ref[...], (((1,), (1,)), ((), ())),
                          preferred_element_type=jnp.float32)
    fc1 = jnp.maximum(fc1 + b1_ref[...], 0.0)
    out = lax.dot_general(fc1, w2_ref[...], (((1,), (1,)), ((), ())),
                          preferred_element_type=jnp.float32)
    out_ref[...] = out[:, 0:1] + b2_ref[0, 0]


def kernel(bow1, offsets1, bow2, offsets2, table, W1, b1, W2, b2):
    del offsets1, offsets2

    bow1 = bow1.astype(jnp.int32)
    bow2 = bow2.astype(jnp.int32)

    tableT = table.T
    table_tailT = jnp.zeros((_EMBED, _BK), jnp.float32)
    table_tailT = lax.dynamic_update_slice(
        table_tailT, lax.slice(tableT, (0, (_NBK - 1) * _BK),
                               (_EMBED, _VOCAB + 1)), (0, 0))

    g, counts = _make_sc_kernel()(bow1, bow2, table)

    tails = pl.pallas_call(
        _tc_tail_body,
        grid=(_NBK,),
        in_specs=[
            pl.BlockSpec((2, _BK), lambda j: (0, j)),
            pl.BlockSpec((_EMBED, _BK), lambda j: (0, jnp.minimum(j, _NBK - 2))),
            pl.BlockSpec((_EMBED, _BK), lambda j: (0, 0)),
        ],
        out_specs=pl.BlockSpec((2, _EMBED), lambda j: (0, 0)),
        out_shape=jax.ShapeDtypeStruct((2, _EMBED), jnp.float32),
        scratch_shapes=[pltpu.VMEM((2, _EMBED), jnp.float32)],
    )(counts, tableT, table_tailT)

    w1 = W1.astype(jnp.float32)
    b1r = b1.astype(jnp.float32).reshape(1, _HIDDEN)
    w2 = jnp.zeros((8, _HIDDEN), jnp.float32)
    w2 = lax.dynamic_update_slice(w2, W2.astype(jnp.float32), (0, 0))
    b2r = b2.astype(jnp.float32).reshape(1, 1)

    out = pl.pallas_call(
        _tc_mlp_body,
        grid=(_NBR,),
        in_specs=[
            pl.BlockSpec((1, _BR, _EMBED), lambda i: (0, i, 0)),
            pl.BlockSpec((1, _BR, _EMBED), lambda i: (1, i, 0)),
            pl.BlockSpec((2, _EMBED), lambda i: (0, 0)),
            pl.BlockSpec((_HIDDEN, 2 * _EMBED), lambda i: (0, 0)),
            pl.BlockSpec((1, _HIDDEN), lambda i: (0, 0)),
            pl.BlockSpec((8, _HIDDEN), lambda i: (0, 0)),
            pl.BlockSpec(memory_space=pltpu.SMEM),
        ],
        out_specs=pl.BlockSpec((_BR, 1), lambda i: (i, 0)),
        out_shape=jax.ShapeDtypeStruct((_BATCH, 1), jnp.float32),
        scratch_shapes=[pltpu.VMEM((2, _EMBED), jnp.float32)],
    )(g, g, tails, w1, b1r, w2, b2r)

    return out

# --- scband reference (transcript-rebuilt; emitter-appended) ---
"""Pipeline reference for scband-cbow-3874060501030 (READ-ONLY COPY).

The authoritative reference and input builder live on the scoring server;
editing this copy changes nothing except your own understanding.
"""

import jax, jax.numpy as jnp
import numpy as np

VOCAB = 100000
EMBED = 64
HIDDEN = 128
BATCH = 16384
TOK = 819200


def embedding_bag_sum(table, bow, offsets, batch):
    # torch.nn.EmbeddingBag(mode='sum'): bag i sums table[bow[offsets[i]:offsets[i+1]]]
    emb = jnp.take(table, bow, axis=0)
    seg = jnp.searchsorted(offsets, jnp.arange(bow.shape[0]), side='right') - 1
    return jax.ops.segment_sum(emb, seg, num_segments=batch)


def setup_inputs(seed: int = 0) -> dict:
    key = jax.random.key(seed)
    k1, k2, k3, k4, k5 = jax.random.split(key, 5)
    bow1 = jax.random.randint(k1, (TOK,), 0, VOCAB)
    bow2 = jax.random.randint(k2, (TOK,), 0, VOCAB)
    offsets1 = jnp.arange(BATCH, dtype=jnp.int64) if jax.config.jax_enable_x64 else jnp.arange(BATCH, dtype=jnp.int32)
    offsets2 = offsets1
    table = jax.random.normal(k3, (VOCAB + 1, EMBED), dtype=jnp.float32) * 0.02
    W1 = jax.random.normal(k4, (HIDDEN, 2 * EMBED), dtype=jnp.float32) * 0.05
    b1 = jnp.zeros((HIDDEN,), dtype=jnp.float32)
    W2 = jax.random.normal(k5, (1, HIDDEN), dtype=jnp.float32) * 0.05
    b2 = jnp.zeros((1,), dtype=jnp.float32)
    return {"bow1": bow1, "offsets1": offsets1, "bow2": bow2, "offsets2": offsets2,
            "table": table, "W1": W1, "b1": b1, "W2": W2, "b2": b2}


def reference(bow1, offsets1, bow2, offsets2, table, W1, b1, W2, b2):
    cbow1 = embedding_bag_sum(table, bow1, offsets1, BATCH)
    cbow2 = embedding_bag_sum(table, bow2, offsets2, BATCH)
    cbow_concat = jnp.concatenate([cbow1, cbow2], axis=1)
    fc1 = jax.nn.relu(cbow_concat @ W1.T + b1)
    out = fc1 @ W2.T + b2
    return out

if __name__ == "__main__":
    import jax
    _d = setup_inputs()
    print(jax.jit(kernel)(*tuple(_d.values())))

</pallas_src>

<mosaic_0001>
#map = affine_map<(d0, d1) -> (0)>
#map1 = affine_map<(d0, d1) -> (0, 0)>
#map2 = affine_map<(d0, d1) -> (0, 0, 0)>
module attributes {stable_mosaic.version = 14 : i64} {
  func.func @_sc_body(%arg0: i32, %arg1: i32, %arg2: memref<819200xi32, #tpu.memory_space<hbm>>, %arg3: memref<819200xi32, #tpu.memory_space<hbm>>, %arg4: memref<100001x64xf32, #tpu.memory_space<hbm>>, %arg5: memref<2x16384x64xf32, #tpu.memory_space<hbm>>, %arg6: memref<2x102400xf32, #tpu.memory_space<hbm>>, %arg7: memref<102400xf32, #tpu.memory_space<vmem_shared>>, %arg8: memref<6400xf32, #tpu.memory_space<vmem>>, %arg9: memref<6400xf32, #tpu.memory_space<vmem>>, %arg10: memref<5120xi32, #tpu.memory_space<vmem>>, %arg11: memref<128xi32, #tpu.memory_space<vmem>>, %arg12: memref<128x64xf32, #tpu.memory_space<vmem>>, %arg13: memref<128x64xf32, #tpu.memory_space<vmem>>, %arg14: memref<!tpu.dma_semaphore, #tpu.memory_space<semaphore_mem>>, %arg15: memref<!tpu.dma_semaphore, #tpu.memory_space<semaphore_mem>>) attributes {dimension_semantics = [#tpu.dimension_semantics<core_parallel>, #tpu.dimension_semantics<subcore_parallel>], iteration_bounds = array<i64: 2, 16>, scalar_prefetch = 0 : i64, scratch_operands = 9 : i64, tpu.core_type = #tpu.core_type<sc_vector_subcore>, window_params = [{transform_indices = #map}, {transform_indices = #map}, {transform_indices = #map1}, {transform_indices = #map2}, {transform_indices = #map1}]} {
    %broadcast_in_dim3A = arith.constant 0.000000e+00 : f32
    %broadcast_in_dim3A_0 = vector.broadcast %broadcast_in_dim3A : f32 to vector<16xf32>
    %broadcast_in_dim3A_1 = arith.constant 1.000000e+00 : f32
    %broadcast_in_dim3A_2 = vector.broadcast %broadcast_in_dim3A_1 : f32 to vector<16xf32>
    %scan3A = arith.constant 0 : i32
    %scan3A_3 = arith.constant 0 : i32
    %scan3A_4 = arith.constant 400 : i32
    %scan3A_5 = arith.addi %scan3A_3, %scan3A_4 : i32
    %scan3A_6 = arith.constant 1 : i32
    scf.for %scan3A_252 = %scan3A_3 to %scan3A_5 step %scan3A_6  : i32 {
      %mul3A_253 = arith.constant 16 : i32
      %mul3A_254 = arith.muli %scan3A_252, %mul3A_253 : i32
      %swap3A = arith.index_cast %mul3A_254 : i32 to index
      %swap3A_255 = tpu.vector_load %arg8[%swap3A] {strides = array<i32>} : memref<6400xf32, #tpu.memory_space<vmem>>, vector<16xf32>,
      tpu.vector_store %arg8[%swap3A], %broadcast_in_dim3A_0 {strides = array<i32>} : memref<6400xf32, #tpu.memory_space<vmem>>, vector<16xf32>,
      %mul3A_256 = arith.constant 16 : i32
      %mul3A_257 = arith.muli %scan3A_252, %mul3A_256 : i32
      %swap3A_258 = arith.index_cast %mul3A_257 : i32 to index
      %swap3A_259 = tpu.vector_load %arg9[%swap3A_258] {strides = array<i32>} : memref<6400xf32, #tpu.memory_space<vmem>>, vector<16xf32>,
      tpu.vector_store %arg9[%swap3A_258], %broadcast_in_dim3A_2 {strides = array<i32>} : memref<6400xf32, #tpu.memory_space<vmem>>, vector<16xf32>,
    }
    %scan3A_7 = arith.constant 400 : i32
    %mul3A = arith.constant 6400 : i32
    %mul3A_8 = arith.muli %arg1, %mul3A : i32
    "tpu.region"() ({
      %run_scoped3A_252 = tpu.sem_alloc : memref<!tpu.dma_semaphore, #tpu.memory_space<semaphore_mem>>
      %dma_start3A_253 = tpu.memref_slice %arg7[%mul3A_8] : memref<102400xf32, #tpu.memory_space<vmem_shared>> -> memref<6400xf32, #tpu.memory_space<vmem_shared>>
      %dma_start3A_254 = tpu.memref_slice %arg7[%mul3A_8] : memref<102400xf32, #tpu.memory_space<vmem_shared>> -> memref<6400xf32, #tpu.memory_space<vmem_shared>>
      tpu.enqueue_dma source(%arg8 : memref<6400xf32, #tpu.memory_space<vmem>>) target(%dma_start3A_254 : memref<6400xf32, #tpu.memory_space<vmem_shared>>) target_semaphore(%run_scoped3A_252 : memref<!tpu.dma_semaphore, #tpu.memory_space<semaphore_mem>>)
      %dma_wait3A_255 = tpu.memref_slice %arg7[%mul3A_8] : memref<102400xf32, #tpu.memory_space<vmem_shared>> -> memref<6400xf32, #tpu.memory_space<vmem_shared>>
      %dma_wait3A_256 = tpu.memref_slice %arg7[%mul3A_8] : memref<102400xf32, #tpu.memory_space<vmem_shared>> -> memref<6400xf32, #tpu.memory_space<vmem_shared>>
      tpu.wait_dma2 semaphore(%run_scoped3A_252 : memref<!tpu.dma_semaphore, #tpu.memory_space<semaphore_mem>>) src(%arg8 : memref<6400xf32, #tpu.memory_space<vmem>>) dst(%dma_wait3A_256 : memref<6400xf32, #tpu.memory_space<vmem_shared>>)
      tpu.yield
    }) : () -> ()
    %barrier3A = arith.constant 0 : index
    tpu.barrier barrier_id(%barrier3A)
    %mul3A_9 = arith.constant 51200 : i32
    %mul3A_10 = arith.muli %arg1, %mul3A_9 : i32
    %add3A = arith.constant 0 : i32
    %add3A_11 = arith.addi %mul3A_10, %add3A : i32
    %eq3A = arith.constant 0 : i32
    %eq3A_12 = arith.cmpi eq, %arg0, %eq3A : i32
    %convert_element_type3A = arith.extui %eq3A_12 : i1 to i32
    %cond3A = arith.constant 0 : i32
    %cond3A_13 = arith.cmpi ne, %convert_element_type3A, %cond3A : i32
    scf.if %cond3A_13 {
      "tpu.region"() ({
        %run_scoped3A_252 = tpu.sem_alloc : memref<!tpu.dma_semaphore, #tpu.memory_space<semaphore_mem>>
        %dma_start3A_253 = tpu.memref_slice %arg2[%add3A_11] : memref<819200xi32, #tpu.memory_space<hbm>> -> memref<5120xi32, #tpu.memory_space<hbm>>
        %dma_start3A_254 = tpu.memref_slice %arg2[%add3A_11] : memref<819200xi32, #tpu.memory_space<hbm>> -> memref<5120xi32, #tpu.memory_space<hbm>>
        tpu.enqueue_dma source(%dma_start3A_254 : memref<5120xi32, #tpu.memory_space<hbm>>) target(%arg10 : memref<5120xi32, #tpu.memory_space<vmem>>) target_semaphore(%run_scoped3A_252 : memref<!tpu.dma_semaphore, #tpu.memory_space<semaphore_mem>>)
        %dma_wait3A_255 = tpu.memref_slice %arg2[%add3A_11] : memref<819200xi32, #tpu.memory_space<hbm>> -> memref<5120xi32, #tpu.memory_space<hbm>>
        %dma_wait3A_256 = tpu.memref_slice %arg2[%add3A_11] : memref<819200xi32, #tpu.memory_space<hbm>> -> memref<5120xi32, #tpu.memory_space<hbm>>
        tpu.wait_dma2 semaphore(%run_scoped3A_252 : memref<!tpu.dma_semaphore, #tpu.memory_space<semaphore_mem>>) src(%dma_wait3A_256 : memref<5120xi32, #tpu.memory_space<hbm>>) dst(%arg10 : memref<5120xi32, #tpu.memory_space<vmem>>)
        tpu.yield
      }) : () -> ()
    } else {
    }
    %eq3A_14 = arith.constant 1 : i32
    %eq3A_15 = arith.cmpi eq, %arg0, %eq3A_14 : i32
    %convert_element_type3A_16 = arith.extui %eq3A_15 : i1 to i32
    %cond3A_17 = arith.constant 0 : i32
    %cond3A_18 = arith.cmpi ne, %convert_element_type3A_16, %cond3A_17 : i32
    scf.if %cond3A_18 {
      "tpu.region"() ({
        %run_scoped3A_252 = tpu.sem_alloc : memref<!tpu.dma_semaphore, #tpu.memory_space<semaphore_mem>>
        %dma_start3A_253 = tpu.memref_slice %arg3[%add3A_11] : memref<819200xi32, #tpu.memory_space<hbm>> -> memref<5120xi32, #tpu.memory_space<hbm>>
        %dma_start3A_254 = tpu.memref_slice %arg3[%add3A_11] : memref<819200xi32, #tpu.memory_space<hbm>> -> memref<5120xi32, #tpu.memory_space<hbm>>
        tpu.enqueue_dma source(%dma_start3A_254 : memref<5120xi32, #tpu.memory_space<hbm>>) target(%arg10 : memref<5120xi32, #tpu.memory_space<vmem>>) target_semaphore(%run_scoped3A_252 : memref<!tpu.dma_semaphore, #tpu.memory_space<semaphore_mem>>)
        %dma_wait3A_255 = tpu.memref_slice %arg3[%add3A_11] : memref<819200xi32, #tpu.memory_space<hbm>> -> memref<5120xi32, #tpu.memory_space<hbm>>
        %dma_wait3A_256 = tpu.memref_slice %arg3[%add3A_11] : memref<819200xi32, #tpu.memory_space<hbm>> -> memref<5120xi32, #tpu.memory_space<hbm>>
        tpu.wait_dma2 semaphore(%run_scoped3A_252 : memref<!tpu.dma_semaphore, #tpu.memory_space<semaphore_mem>>) src(%dma_wait3A_256 : memref<5120xi32, #tpu.memory_space<hbm>>) dst(%arg10 : memref<5120xi32, #tpu.memory_space<vmem>>)
        tpu.yield
      }) : () -> ()
    } else {
    }
    "tpu.region"() ({
      %run_scoped3A_252 = tpu.sem_alloc : memref<!tpu.dma_semaphore, #tpu.memory_space<semaphore_mem>>
      %dma_start3A_253 = arith.constant 0 : i32
      %dma_start3A_254 = tpu.memref_slice %arg9[%dma_start3A_253] : memref<6400xf32, #tpu.memory_space<vmem>> -> memref<5120xf32, #tpu.memory_space<vmem>>
      %dma_start3A_255 = arith.constant 0 : i32
      %dma_start3A_256 = tpu.memref_slice %arg7[%dma_start3A_255] : memref<102400xf32, #tpu.memory_space<vmem_shared>> -> memref<102400xf32, #tpu.memory_space<vmem_shared>>
      tpu.enqueue_indirect_dma source(%dma_start3A_254 : memref<5120xf32, #tpu.memory_space<vmem>>) target(%dma_start3A_256 : memref<102400xf32, #tpu.memory_space<vmem_shared>>) offsets(%arg10 : memref<5120xi32, #tpu.memory_space<vmem>>) semaphore(%run_scoped3A_252 : memref<!tpu.dma_semaphore, #tpu.memory_space<semaphore_mem>>) {add = true}
      %dma_wait3A_257 = arith.constant 0 : i32
      %dma_wait3A_258 = tpu.memref_slice %arg9[%dma_wait3A_257] : memref<6400xf32, #tpu.memory_space<vmem>> -> memref<5120xf32, #tpu.memory_space<vmem>>
      %dma_wait3A_259 = arith.constant 0 : i32
      %dma_wait3A_260 = tpu.memref_slice %arg7[%dma_wait3A_259] : memref<102400xf32, #tpu.memory_space<vmem_shared>> -> memref<102400xf32, #tpu.memory_space<vmem_shared>>
      tpu.wait_indirect_dma semaphore(%run_scoped3A_252 : memref<!tpu.dma_semaphore, #tpu.memory_space<semaphore_mem>>) src(%dma_wait3A_258 : memref<5120xf32, #tpu.memory_space<vmem>>) dst(%dma_wait3A_260 : memref<102400xf32, #tpu.memory_space<vmem_shared>>)
      tpu.yield
    }) : () -> ()
    %add3A_19 = arith.constant 5120 : i32
    %add3A_20 = arith.addi %mul3A_10, %add3A_19 : i32
    %eq3A_21 = arith.constant 0 : i32
    %eq3A_22 = arith.cmpi eq, %arg0, %eq3A_21 : i32
    %convert_element_type3A_23 = arith.extui %eq3A_22 : i1 to i32
    %cond3A_24 = arith.constant 0 : i32
    %cond3A_25 = arith.cmpi ne, %convert_element_type3A_23, %cond3A_24 : i32
    scf.if %cond3A_25 {
      "tpu.region"() ({
        %run_scoped3A_252 = tpu.sem_alloc : memref<!tpu.dma_semaphore, #tpu.memory_space<semaphore_mem>>
        %dma_start3A_253 = tpu.memref_slice %arg2[%add3A_20] : memref<819200xi32, #tpu.memory_space<hbm>> -> memref<5120xi32, #tpu.memory_space<hbm>>
        %dma_start3A_254 = tpu.memref_slice %arg2[%add3A_20] : memref<819200xi32, #tpu.memory_space<hbm>> -> memref<5120xi32, #tpu.memory_space<hbm>>
        tpu.enqueue_dma source(%dma_start3A_254 : memref<5120xi32, #tpu.memory_space<hbm>>) target(%arg10 : memref<5120xi32, #tpu.memory_space<vmem>>) target_semaphore(%run_scoped3A_252 : memref<!tpu.dma_semaphore, #tpu.memory_space<semaphore_mem>>)
        %dma_wait3A_255 = tpu.memref_slice %arg2[%add3A_20] : memref<819200xi32, #tpu.memory_space<hbm>> -> memref<5120xi32, #tpu.memory_space<hbm>>
        %dma_wait3A_256 = tpu.memref_slice %arg2[%add3A_20] : memref<819200xi32, #tpu.memory_space<hbm>> -> memref<5120xi32, #tpu.memory_space<hbm>>
        tpu.wait_dma2 semaphore(%run_scoped3A_252 : memref<!tpu.dma_semaphore, #tpu.memory_space<semaphore_mem>>) src(%dma_wait3A_256 : memref<5120xi32, #tpu.memory_space<hbm>>) dst(%arg10 : memref<5120xi32, #tpu.memory_space<vmem>>)
        tpu.yield
      }) : () -> ()
    } else {
    }
    %eq3A_26 = arith.constant 1 : i32
    %eq3A_27 = arith.cmpi eq, %arg0, %eq3A_26 : i32
    %convert_element_type3A_28 = arith.extui %eq3A_27 : i1 to i32
    %cond3A_29 = arith.constant 0 : i32
    %cond3A_30 = arith.cmpi ne, %convert_element_type3A_28, %cond3A_29 : i32
    scf.if %cond3A_30 {
      "tpu.region"() ({
        %run_scoped3A_252 = tpu.sem_alloc : memref<!tpu.dma_semaphore, #tpu.memory_space<semaphore_mem>>
        %dma_start3A_253 = tpu.memref_slice %arg3[%add3A_20] : memref<819200xi32, #tpu.memory_space<hbm>> -> memref<5120xi32, #tpu.memory_space<hbm>>
        %dma_start3A_254 = tpu.memref_slice %arg3[%add3A_20] : memref<819200xi32, #tpu.memory_space<hbm>> -> memref<5120xi32, #tpu.memory_space<hbm>>
        tpu.enqueue_dma source(%dma_start3A_254 : memref<5120xi32, #tpu.memory_space<hbm>>) target(%arg10 : memref<5120xi32, #tpu.memory_space<vmem>>) target_semaphore(%run_scoped3A_252 : memref<!tpu.dma_semaphore, #tpu.memory_space<semaphore_mem>>)
        %dma_wait3A_255 = tpu.memref_slice %arg3[%add3A_20] : memref<819200xi32, #tpu.memory_space<hbm>> -> memref<5120xi32, #tpu.memory_space<hbm>>
        %dma_wait3A_256 = tpu.memref_slice %arg3[%add3A_20] : memref<819200xi32, #tpu.memory_space<hbm>> -> memref<5120xi32, #tpu.memory_space<hbm>>
        tpu.wait_dma2 semaphore(%run_scoped3A_252 : memref<!tpu.dma_semaphore, #tpu.memory_space<semaphore_mem>>) src(%dma_wait3A_256 : memref<5120xi32, #tpu.memory_space<hbm>>) dst(%arg10 : memref<5120xi32, #tpu.memory_space<vmem>>)
        tpu.yield
      }) : () -> ()
    } else {
    }
    "tpu.region"() ({
      %run_scoped3A_252 = tpu.sem_alloc : memref<!tpu.dma_semaphore, #tpu.memory_space<semaphore_mem>>
      %dma_start3A_253 = arith.constant 0 : i32
      %dma_start3A_254 = tpu.memref_slice %arg9[%dma_start3A_253] : memref<6400xf32, #tpu.memory_space<vmem>> -> memref<5120xf32, #tpu.memory_space<vmem>>
      %dma_start3A_255 = arith.constant 0 : i32
      %dma_start3A_256 = tpu.memref_slice %arg7[%dma_start3A_255] : memref<102400xf32, #tpu.memory_space<vmem_shared>> -> memref<102400xf32, #tpu.memory_space<vmem_shared>>
      tpu.enqueue_indirect_dma source(%dma_start3A_254 : memref<5120xf32, #tpu.memory_space<vmem>>) target(%dma_start3A_256 : memref<102400xf32, #tpu.memory_space<vmem_shared>>) offsets(%arg10 : memref<5120xi32, #tpu.memory_space<vmem>>) semaphore(%run_scoped3A_252 : memref<!tpu.dma_semaphore, #tpu.memory_space<semaphore_mem>>) {add = true}
      %dma_wait3A_257 = arith.constant 0 : i32
      %dma_wait3A_258 = tpu.memref_slice %arg9[%dma_wait3A_257] : memref<6400xf32, #tpu.memory_space<vmem>> -> memref<5120xf32, #tpu.memory_space<vmem>>
      %dma_wait3A_259 = arith.constant 0 : i32
      %dma_wait3A_260 = tpu.memref_slice %arg7[%dma_wait3A_259] : memref<102400xf32, #tpu.memory_space<vmem_shared>> -> memref<102400xf32, #tpu.memory_space<vmem_shared>>
      tpu.wait_indirect_dma semaphore(%run_scoped3A_252 : memref<!tpu.dma_semaphore, #tpu.memory_space<semaphore_mem>>) src(%dma_wait3A_258 : memref<5120xf32, #tpu.memory_space<vmem>>) dst(%dma_wait3A_260 : memref<102400xf32, #tpu.memory_space<vmem_shared>>)
      tpu.yield
    }) : () -> ()
    %add3A_31 = arith.constant 10240 : i32
    %add3A_32 = arith.addi %mul3A_10, %add3A_31 : i32
    %eq3A_33 = arith.constant 0 : i32
    %eq3A_34 = arith.cmpi eq, %arg0, %eq3A_33 : i32
    %convert_element_type3A_35 = arith.extui %eq3A_34 : i1 to i32
    %cond3A_36 = arith.constant 0 : i32
    %cond3A_37 = arith.cmpi ne, %convert_element_type3A_35, %cond3A_36 : i32
    scf.if %cond3A_37 {
      "tpu.region"() ({
        %run_scoped3A_252 = tpu.sem_alloc : memref<!tpu.dma_semaphore, #tpu.memory_space<semaphore_mem>>
        %dma_start3A_253 = tpu.memref_slice %arg2[%add3A_32] : memref<819200xi32, #tpu.memory_space<hbm>> -> memref<5120xi32, #tpu.memory_space<hbm>>
        %dma_start3A_254 = tpu.memref_slice %arg2[%add3A_32] : memref<819200xi32, #tpu.memory_space<hbm>> -> memref<5120xi32, #tpu.memory_space<hbm>>
        tpu.enqueue_dma source(%dma_start3A_254 : memref<5120xi32, #tpu.memory_space<hbm>>) target(%arg10 : memref<5120xi32, #tpu.memory_space<vmem>>) target_semaphore(%run_scoped3A_252 : memref<!tpu.dma_semaphore, #tpu.memory_space<semaphore_mem>>)
        %dma_wait3A_255 = tpu.memref_slice %arg2[%add3A_32] : memref<819200xi32, #tpu.memory_space<hbm>> -> memref<5120xi32, #tpu.memory_space<hbm>>
        %dma_wait3A_256 = tpu.memref_slice %arg2[%add3A_32] : memref<819200xi32, #tpu.memory_space<hbm>> -> memref<5120xi32, #tpu.memory_space<hbm>>
        tpu.wait_dma2 semaphore(%run_scoped3A_252 : memref<!tpu.dma_semaphore, #tpu.memory_space<semaphore_mem>>) src(%dma_wait3A_256 : memref<5120xi32, #tpu.memory_space<hbm>>) dst(%arg10 : memref<5120xi32, #tpu.memory_space<vmem>>)
        tpu.yield
      }) : () -> ()
    } else {
    }
    %eq3A_38 = arith.constant 1 : i32
    %eq3A_39 = arith.cmpi eq, %arg0, %eq3A_38 : i32
    %convert_element_type3A_40 = arith.extui %eq3A_39 : i1 to i32
    %cond3A_41 = arith.constant 0 : i32
    %cond3A_42 = arith.cmpi ne, %convert_element_type3A_40, %cond3A_41 : i32
    scf.if %cond3A_42 {
      "tpu.region"() ({
        %run_scoped3A_252 = tpu.sem_alloc : memref<!tpu.dma_semaphore, #tpu.memory_space<semaphore_mem>>
        %dma_start3A_253 = tpu.memref_slice %arg3[%add3A_32] : memref<819200xi32, #tpu.memory_space<hbm>> -> memref<5120xi32, #tpu.memory_space<hbm>>
        %dma_start3A_254 = tpu.memref_slice %arg3[%add3A_32] : memref<819200xi32, #tpu.memory_space<hbm>> -> memref<5120xi32, #tpu.memory_space<hbm>>
        tpu.enqueue_dma source(%dma_start3A_254 : memref<5120xi32, #tpu.memory_space<hbm>>) target(%arg10 : memref<5120xi32, #tpu.memory_space<vmem>>) target_semaphore(%run_scoped3A_252 : memref<!tpu.dma_semaphore, #tpu.memory_space<semaphore_mem>>)
        %dma_wait3A_255 = tpu.memref_slice %arg3[%add3A_32] : memref<819200xi32, #tpu.memory_space<hbm>> -> memref<5120xi32, #tpu.memory_space<hbm>>
        %dma_wait3A_256 = tpu.memref_slice %arg3[%add3A_32] : memref<819200xi32, #tpu.memory_space<hbm>> -> memref<5120xi32, #tpu.memory_space<hbm>>
        tpu.wait_dma2 semaphore(%run_scoped3A_252 : memref<!tpu.dma_semaphore, #tpu.memory_space<semaphore_mem>>) src(%dma_wait3A_256 : memref<5120xi32, #tpu.memory_space<hbm>>) dst(%arg10 : memref<5120xi32, #tpu.memory_space<vmem>>)
        tpu.yield
      }) : () -> ()
    } else {
    }
    "tpu.region"() ({
      %run_scoped3A_252 = tpu.sem_alloc : memref<!tpu.dma_semaphore, #tpu.memory_space<semaphore_mem>>
      %dma_start3A_253 = arith.constant 0 : i32
      %dma_start3A_254 = tpu.memref_slice %arg9[%dma_start3A_253] : memref<6400xf32, #tpu.memory_space<vmem>> -> memref<5120xf32, #tpu.memory_space<vmem>>
      %dma_start3A_255 = arith.constant 0 : i32
      %dma_start3A_256 = tpu.memref_slice %arg7[%dma_start3A_255] : memref<102400xf32, #tpu.memory_space<vmem_shared>> -> memref<102400xf32, #tpu.memory_space<vmem_shared>>
      tpu.enqueue_indirect_dma source(%dma_start3A_254 : memref<5120xf32, #tpu.memory_space<vmem>>) target(%dma_start3A_256 : memref<102400xf32, #tpu.memory_space<vmem_shared>>) offsets(%arg10 : memref<5120xi32, #tpu.memory_space<vmem>>) semaphore(%run_scoped3A_252 : memref<!tpu.dma_semaphore, #tpu.memory_space<semaphore_mem>>) {add = true}
      %dma_wait3A_257 = arith.constant 0 : i32
      %dma_wait3A_258 = tpu.memref_slice %arg9[%dma_wait3A_257] : memref<6400xf32, #tpu.memory_space<vmem>> -> memref<5120xf32, #tpu.memory_space<vmem>>
      %dma_wait3A_259 = arith.constant 0 : i32
      %dma_wait3A_260 = tpu.memref_slice %arg7[%dma_wait3A_259] : memref<102400xf32, #tpu.memory_space<vmem_shared>> -> memref<102400xf32, #tpu.memory_space<vmem_shared>>
      tpu.wait_indirect_dma semaphore(%run_scoped3A_252 : memref<!tpu.dma_semaphore, #tpu.memory_space<semaphore_mem>>) src(%dma_wait3A_258 : memref<5120xf32, #tpu.memory_space<vmem>>) dst(%dma_wait3A_260 : memref<102400xf32, #tpu.memory_space<vmem_shared>>)
      tpu.yield
    }) : () -> ()
    %add3A_43 = arith.constant 15360 : i32
    %add3A_44 = arith.addi %mul3A_10, %add3A_43 : i32
    %eq3A_45 = arith.constant 0 : i32
    %eq3A_46 = arith.cmpi eq, %arg0, %eq3A_45 : i32
    %convert_element_type3A_47 = arith.extui %eq3A_46 : i1 to i32
    %cond3A_48 = arith.constant 0 : i32
    %cond3A_49 = arith.cmpi ne, %convert_element_type3A_47, %cond3A_48 : i32
    scf.if %cond3A_49 {
      "tpu.region"() ({
        %run_scoped3A_252 = tpu.sem_alloc : memref<!tpu.dma_semaphore, #tpu.memory_space<semaphore_mem>>
        %dma_start3A_253 = tpu.memref_slice %arg2[%add3A_44] : memref<819200xi32, #tpu.memory_space<hbm>> -> memref<5120xi32, #tpu.memory_space<hbm>>
        %dma_start3A_254 = tpu.memref_slice %arg2[%add3A_44] : memref<819200xi32, #tpu.memory_space<hbm>> -> memref<5120xi32, #tpu.memory_space<hbm>>
        tpu.enqueue_dma source(%dma_start3A_254 : memref<5120xi32, #tpu.memory_space<hbm>>) target(%arg10 : memref<5120xi32, #tpu.memory_space<vmem>>) target_semaphore(%run_scoped3A_252 : memref<!tpu.dma_semaphore, #tpu.memory_space<semaphore_mem>>)
        %dma_wait3A_255 = tpu.memref_slice %arg2[%add3A_44] : memref<819200xi32, #tpu.memory_space<hbm>> -> memref<5120xi32, #tpu.memory_space<hbm>>
        %dma_wait3A_256 = tpu.memref_slice %arg2[%add3A_44] : memref<819200xi32, #tpu.memory_space<hbm>> -> memref<5120xi32, #tpu.memory_space<hbm>>
        tpu.wait_dma2 semaphore(%run_scoped3A_252 : memref<!tpu.dma_semaphore, #tpu.memory_space<semaphore_mem>>) src(%dma_wait3A_256 : memref<5120xi32, #tpu.memory_space<hbm>>) dst(%arg10 : memref<5120xi32, #tpu.memory_space<vmem>>)
        tpu.yield
      }) : () -> ()
    } else {
    }
    %eq3A_50 = arith.constant 1 : i32
    %eq3A_51 = arith.cmpi eq, %arg0, %eq3A_50 : i32
    %convert_element_type3A_52 = arith.extui %eq3A_51 : i1 to i32
    %cond3A_53 = arith.constant 0 : i32
    %cond3A_54 = arith.cmpi ne, %convert_element_type3A_52, %cond3A_53 : i32
    scf.if %cond3A_54 {
      "tpu.region"() ({
        %run_scoped3A_252 = tpu.sem_alloc : memref<!tpu.dma_semaphore, #tpu.memory_space<semaphore_mem>>
        %dma_start3A_253 = tpu.memref_slice %arg3[%add3A_44] : memref<819200xi32, #tpu.memory_space<hbm>> -> memref<5120xi32, #tpu.memory_space<hbm>>
        %dma_start3A_254 = tpu.memref_slice %arg3[%add3A_44] : memref<819200xi32, #tpu.memory_space<hbm>> -> memref<5120xi32, #tpu.memory_space<hbm>>
        tpu.enqueue_dma source(%dma_start3A_254 : memref<5120xi32, #tpu.memory_space<hbm>>) target(%arg10 : memref<5120xi32, #tpu.memory_space<vmem>>) target_semaphore(%run_scoped3A_252 : memref<!tpu.dma_semaphore, #tpu.memory_space<semaphore_mem>>)
        %dma_wait3A_255 = tpu.memref_slice %arg3[%add3A_44] : memref<819200xi32, #tpu.memory_space<hbm>> -> memref<5120xi32, #tpu.memory_space<hbm>>
        %dma_wait3A_256 = tpu.memref_slice %arg3[%add3A_44] : memref<819200xi32, #tpu.memory_space<hbm>> -> memref<5120xi32, #tpu.memory_space<hbm>>
        tpu.wait_dma2 semaphore(%run_scoped3A_252 : memref<!tpu.dma_semaphore, #tpu.memory_space<semaphore_mem>>) src(%dma_wait3A_256 : memref<5120xi32, #tpu.memory_space<hbm>>) dst(%arg10 : memref<5120xi32, #tpu.memory_space<vmem>>)
        tpu.yield
      }) : () -> ()
    } else {
    }
    "tpu.region"() ({
      %run_scoped3A_252 = tpu.sem_alloc : memref<!tpu.dma_semaphore, #tpu.memory_space<semaphore_mem>>
      %dma_start3A_253 = arith.constant 0 : i32
      %dma_start3A_254 = tpu.memref_slice %arg9[%dma_start3A_253] : memref<6400xf32, #tpu.memory_space<vmem>> -> memref<5120xf32, #tpu.memory_space<vmem>>
      %dma_start3A_255 = arith.constant 0 : i32
      %dma_start3A_256 = tpu.memref_slice %arg7[%dma_start3A_255] : memref<102400xf32, #tpu.memory_space<vmem_shared>> -> memref<102400xf32, #tpu.memory_space<vmem_shared>>
      tpu.enqueue_indirect_dma source(%dma_start3A_254 : memref<5120xf32, #tpu.memory_space<vmem>>) target(%dma_start3A_256 : memref<102400xf32, #tpu.memory_space<vmem_shared>>) offsets(%arg10 : memref<5120xi32, #tpu.memory_space<vmem>>) semaphore(%run_scoped3A_252 : memref<!tpu.dma_semaphore, #tpu.memory_space<semaphore_mem>>) {add = true}
      %dma_wait3A_257 = arith.constant 0 : i32
      %dma_wait3A_258 = tpu.memref_slice %arg9[%dma_wait3A_257] : memref<6400xf32, #tpu.memory_space<vmem>> -> memref<5120xf32, #tpu.memory_space<vmem>>
      %dma_wait3A_259 = arith.constant 0 : i32
      %dma_wait3A_260 = tpu.memref_slice %arg7[%dma_wait3A_259] : memref<102400xf32, #tpu.memory_space<vmem_shared>> -> memref<102400xf32, #tpu.memory_space<vmem_shared>>
      tpu.wait_indirect_dma semaphore(%run_scoped3A_252 : memref<!tpu.dma_semaphore, #tpu.memory_space<semaphore_mem>>) src(%dma_wait3A_258 : memref<5120xf32, #tpu.memory_space<vmem>>) dst(%dma_wait3A_260 : memref<102400xf32, #tpu.memory_space<vmem_shared>>)
      tpu.yield
    }) : () -> ()
    %add3A_55 = arith.constant 20480 : i32
    %add3A_56 = arith.addi %mul3A_10, %add3A_55 : i32
    %eq3A_57 = arith.constant 0 : i32
    %eq3A_58 = arith.cmpi eq, %arg0, %eq3A_57 : i32
    %convert_element_type3A_59 = arith.extui %eq3A_58 : i1 to i32
    %cond3A_60 = arith.constant 0 : i32
    %cond3A_61 = arith.cmpi ne, %convert_element_type3A_59, %cond3A_60 : i32
    scf.if %cond3A_61 {
      "tpu.region"() ({
        %run_scoped3A_252 = tpu.sem_alloc : memref<!tpu.dma_semaphore, #tpu.memory_space<semaphore_mem>>
        %dma_start3A_253 = tpu.memref_slice %arg2[%add3A_56] : memref<819200xi32, #tpu.memory_space<hbm>> -> memref<5120xi32, #tpu.memory_space<hbm>>
        %dma_start3A_254 = tpu.memref_slice %arg2[%add3A_56] : memref<819200xi32, #tpu.memory_space<hbm>> -> memref<5120xi32, #tpu.memory_space<hbm>>
        tpu.enqueue_dma source(%dma_start3A_254 : memref<5120xi32, #tpu.memory_space<hbm>>) target(%arg10 : memref<5120xi32, #tpu.memory_space<vmem>>) target_semaphore(%run_scoped3A_252 : memref<!tpu.dma_semaphore, #tpu.memory_space<semaphore_mem>>)
        %dma_wait3A_255 = tpu.memref_slice %arg2[%add3A_56] : memref<819200xi32, #tpu.memory_space<hbm>> -> memref<5120xi32, #tpu.memory_space<hbm>>
        %dma_wait3A_256 = tpu.memref_slice %arg2[%add3A_56] : memref<819200xi32, #tpu.memory_space<hbm>> -> memref<5120xi32, #tpu.memory_space<hbm>>
        tpu.wait_dma2 semaphore(%run_scoped3A_252 : memref<!tpu.dma_semaphore, #tpu.memory_space<semaphore_mem>>) src(%dma_wait3A_256 : memref<5120xi32, #tpu.memory_space<hbm>>) dst(%arg10 : memref<5120xi32, #tpu.memory_space<vmem>>)
        tpu.yield
      }) : () -> ()
    } else {
    }
    %eq3A_62 = arith.constant 1 : i32
    %eq3A_63 = arith.cmpi eq, %arg0, %eq3A_62 : i32
    %convert_element_type3A_64 = arith.extui %eq3A_63 : i1 to i32
    %cond3A_65 = arith.constant 0 : i32
    %cond3A_66 = arith.cmpi ne, %convert_element_type3A_64, %cond3A_65 : i32
    scf.if %cond3A_66 {
      "tpu.region"() ({
        %run_scoped3A_252 = tpu.sem_alloc : memref<!tpu.dma_semaphore, #tpu.memory_space<semaphore_mem>>
        %dma_start3A_253 = tpu.memref_slice %arg3[%add3A_56] : memref<819200xi32, #tpu.memory_space<hbm>> -> memref<5120xi32, #tpu.memory_space<hbm>>
        %dma_start3A_254 = tpu.memref_slice %arg3[%add3A_56] : memref<819200xi32, #tpu.memory_space<hbm>> -> memref<5120xi32, #tpu.memory_space<hbm>>
        tpu.enqueue_dma source(%dma_start3A_254 : memref<5120xi32, #tpu.memory_space<hbm>>) target(%arg10 : memref<5120xi32, #tpu.memory_space<vmem>>) target_semaphore(%run_scoped3A_252 : memref<!tpu.dma_semaphore, #tpu.memory_space<semaphore_mem>>)
        %dma_wait3A_255 = tpu.memref_slice %arg3[%add3A_56] : memref<819200xi32, #tpu.memory_space<hbm>> -> memref<5120xi32, #tpu.memory_space<hbm>>
        %dma_wait3A_256 = tpu.memref_slice %arg3[%add3A_56] : memref<819200xi32, #tpu.memory_space<hbm>> -> memref<5120xi32, #tpu.memory_space<hbm>>
        tpu.wait_dma2 semaphore(%run_scoped3A_252 : memref<!tpu.dma_semaphore, #tpu.memory_space<semaphore_mem>>) src(%dma_wait3A_256 : memref<5120xi32, #tpu.memory_space<hbm>>) dst(%arg10 : memref<5120xi32, #tpu.memory_space<vmem>>)
        tpu.yield
      }) : () -> ()
    } else {
    }
    "tpu.region"() ({
      %run_scoped3A_252 = tpu.sem_alloc : memref<!tpu.dma_semaphore, #tpu.memory_space<semaphore_mem>>
      %dma_start3A_253 = arith.constant 0 : i32
      %dma_start3A_254 = tpu.memref_slice %arg9[%dma_start3A_253] : memref<6400xf32, #tpu.memory_space<vmem>> -> memref<5120xf32, #tpu.memory_space<vmem>>
      %dma_start3A_255 = arith.constant 0 : i32
      %dma_start3A_256 = tpu.memref_slice %arg7[%dma_start3A_255] : memref<102400xf32, #tpu.memory_space<vmem_shared>> -> memref<102400xf32, #tpu.memory_space<vmem_shared>>
      tpu.enqueue_indirect_dma source(%dma_start3A_254 : memref<5120xf32, #tpu.memory_space<vmem>>) target(%dma_start3A_256 : memref<102400xf32, #tpu.memory_space<vmem_shared>>) offsets(%arg10 : memref<5120xi32, #tpu.memory_space<vmem>>) semaphore(%run_scoped3A_252 : memref<!tpu.dma_semaphore, #tpu.memory_space<semaphore_mem>>) {add = true}
      %dma_wait3A_257 = arith.constant 0 : i32
      %dma_wait3A_258 = tpu.memref_slice %arg9[%dma_wait3A_257] : memref<6400xf32, #tpu.memory_space<vmem>> -> memref<5120xf32, #tpu.memory_space<vmem>>
      %dma_wait3A_259 = arith.constant 0 : i32
      %dma_wait3A_260 = tpu.memref_slice %arg7[%dma_wait3A_259] : memref<102400xf32, #tpu.memory_space<vmem_shared>> -> memref<102400xf32, #tpu.memory_space<vmem_shared>>
      tpu.wait_indirect_dma semaphore(%run_scoped3A_252 : memref<!tpu.dma_semaphore, #tpu.memory_space<semaphore_mem>>) src(%dma_wait3A_258 : memref<5120xf32, #tpu.memory_space<vmem>>) dst(%dma_wait3A_260 : memref<102400xf32, #tpu.memory_space<vmem_shared>>)
      tpu.yield
    }) : () -> ()
    %add3A_67 = arith.constant 25600 : i32
    %add3A_68 = arith.addi %mul3A_10, %add3A_67 : i32
    %eq3A_69 = arith.constant 0 : i32
    %eq3A_70 = arith.cmpi eq, %arg0, %eq3A_69 : i32
    %convert_element_type3A_71 = arith.extui %eq3A_70 : i1 to i32
    %cond3A_72 = arith.constant 0 : i32
    %cond3A_73 = arith.cmpi ne, %convert_element_type3A_71, %cond3A_72 : i32
    scf.if %cond3A_73 {
      "tpu.region"() ({
        %run_scoped3A_252 = tpu.sem_alloc : memref<!tpu.dma_semaphore, #tpu.memory_space<semaphore_mem>>
        %dma_start3A_253 = tpu.memref_slice %arg2[%add3A_68] : memref<819200xi32, #tpu.memory_space<hbm>> -> memref<5120xi32, #tpu.memory_space<hbm>>
        %dma_start3A_254 = tpu.memref_slice %arg2[%add3A_68] : memref<819200xi32, #tpu.memory_space<hbm>> -> memref<5120xi32, #tpu.memory_space<hbm>>
        tpu.enqueue_dma source(%dma_start3A_254 : memref<5120xi32, #tpu.memory_space<hbm>>) target(%arg10 : memref<5120xi32, #tpu.memory_space<vmem>>) target_semaphore(%run_scoped3A_252 : memref<!tpu.dma_semaphore, #tpu.memory_space<semaphore_mem>>)
        %dma_wait3A_255 = tpu.memref_slice %arg2[%add3A_68] : memref<819200xi32, #tpu.memory_space<hbm>> -> memref<5120xi32, #tpu.memory_space<hbm>>
        %dma_wait3A_256 = tpu.memref_slice %arg2[%add3A_68] : memref<819200xi32, #tpu.memory_space<hbm>> -> memref<5120xi32, #tpu.memory_space<hbm>>
        tpu.wait_dma2 semaphore(%run_scoped3A_252 : memref<!tpu.dma_semaphore, #tpu.memory_space<semaphore_mem>>) src(%dma_wait3A_256 : memref<5120xi32, #tpu.memory_space<hbm>>) dst(%arg10 : memref<5120xi32, #tpu.memory_space<vmem>>)
        tpu.yield
      }) : () -> ()
    } else {
    }
    %eq3A_74 = arith.constant 1 : i32
    %eq3A_75 = arith.cmpi eq, %arg0, %eq3A_74 : i32
    %convert_element_type3A_76 = arith.extui %eq3A_75 : i1 to i32
    %cond3A_77 = arith.constant 0 : i32
    %cond3A_78 = arith.cmpi ne, %convert_element_type3A_76, %cond3A_77 : i32
    scf.if %cond3A_78 {
      "tpu.region"() ({
        %run_scoped3A_252 = tpu.sem_alloc : memref<!tpu.dma_semaphore, #tpu.memory_space<semaphore_mem>>
        %dma_start3A_253 = tpu.memref_slice %arg3[%add3A_68] : memref<819200xi32, #tpu.memory_space<hbm>> -> memref<5120xi32, #tpu.memory_space<hbm>>
        %dma_start3A_254 = tpu.memref_slice %arg3[%add3A_68] : memref<819200xi32, #tpu.memory_space<hbm>> -> memref<5120xi32, #tpu.memory_space<hbm>>
        tpu.enqueue_dma source(%dma_start3A_254 : memref<5120xi32, #tpu.memory_space<hbm>>) target(%arg10 : memref<5120xi32, #tpu.memory_space<vmem>>) target_semaphore(%run_scoped3A_252 : memref<!tpu.dma_semaphore, #tpu.memory_space<semaphore_mem>>)
        %dma_wait3A_255 = tpu.memref_slice %arg3[%add3A_68] : memref<819200xi32, #tpu.memory_space<hbm>> -> memref<5120xi32, #tpu.memory_space<hbm>>
        %dma_wait3A_256 = tpu.memref_slice %arg3[%add3A_68] : memref<819200xi32, #tpu.memory_space<hbm>> -> memref<5120xi32, #tpu.memory_space<hbm>>
        tpu.wait_dma2 semaphore(%run_scoped3A_252 : memref<!tpu.dma_semaphore, #tpu.memory_space<semaphore_mem>>) src(%dma_wait3A_256 : memref<5120xi32, #tpu.memory_space<hbm>>) dst(%arg10 : memref<5120xi32, #tpu.memory_space<vmem>>)
        tpu.yield
      }) : () -> ()
    } else {
    }
    "tpu.region"() ({
      %run_scoped3A_252 = tpu.sem_alloc : memref<!tpu.dma_semaphore, #tpu.memory_space<semaphore_mem>>
      %dma_start3A_253 = arith.constant 0 : i32
      %dma_start3A_254 = tpu.memref_slice %arg9[%dma_start3A_253] : memref<6400xf32, #tpu.memory_space<vmem>> -> memref<5120xf32, #tpu.memory_space<vmem>>
      %dma_start3A_255 = arith.constant 0 : i32
      %dma_start3A_256 = tpu.memref_slice %arg7[%dma_start3A_255] : memref<102400xf32, #tpu.memory_space<vmem_shared>> -> memref<102400xf32, #tpu.memory_space<vmem_shared>>
      tpu.enqueue_indirect_dma source(%dma_start3A_254 : memref<5120xf32, #tpu.memory_space<vmem>>) target(%dma_start3A_256 : memref<102400xf32, #tpu.memory_space<vmem_shared>>) offsets(%arg10 : memref<5120xi32, #tpu.memory_space<vmem>>) semaphore(%run_scoped3A_252 : memref<!tpu.dma_semaphore, #tpu.memory_space<semaphore_mem>>) {add = true}
      %dma_wait3A_257 = arith.constant 0 : i32
      %dma_wait3A_258 = tpu.memref_slice %arg9[%dma_wait3A_257] : memref<6400xf32, #tpu.memory_space<vmem>> -> memref<5120xf32, #tpu.memory_space<vmem>>
      %dma_wait3A_259 = arith.constant 0 : i32
      %dma_wait3A_260 = tpu.memref_slice %arg7[%dma_wait3A_259] : memref<102400xf32, #tpu.memory_space<vmem_shared>> -> memref<102400xf32, #tpu.memory_space<vmem_shared>>
      tpu.wait_indirect_dma semaphore(%run_scoped3A_252 : memref<!tpu.dma_semaphore, #tpu.memory_space<semaphore_mem>>) src(%dma_wait3A_258 : memref<5120xf32, #tpu.memory_space<vmem>>) dst(%dma_wait3A_260 : memref<102400xf32, #tpu.memory_space<vmem_shared>>)
      tpu.yield
    }) : () -> ()
    %add3A_79 = arith.constant 30720 : i32
    %add3A_80 = arith.addi %mul3A_10, %add3A_79 : i32
    %eq3A_81 = arith.constant 0 : i32
    %eq3A_82 = arith.cmpi eq, %arg0, %eq3A_81 : i32
    %convert_element_type3A_83 = arith.extui %eq3A_82 : i1 to i32
    %cond3A_84 = arith.constant 0 : i32
    %cond3A_85 = arith.cmpi ne, %convert_element_type3A_83, %cond3A_84 : i32
    scf.if %cond3A_85 {
      "tpu.region"() ({
        %run_scoped3A_252 = tpu.sem_alloc : memref<!tpu.dma_semaphore, #tpu.memory_space<semaphore_mem>>
        %dma_start3A_253 = tpu.memref_slice %arg2[%add3A_80] : memref<819200xi32, #tpu.memory_space<hbm>> -> memref<5120xi32, #tpu.memory_space<hbm>>
        %dma_start3A_254 = tpu.memref_slice %arg2[%add3A_80] : memref<819200xi32, #tpu.memory_space<hbm>> -> memref<5120xi32, #tpu.memory_space<hbm>>
        tpu.enqueue_dma source(%dma_start3A_254 : memref<5120xi32, #tpu.memory_space<hbm>>) target(%arg10 : memref<5120xi32, #tpu.memory_space<vmem>>) target_semaphore(%run_scoped3A_252 : memref<!tpu.dma_semaphore, #tpu.memory_space<semaphore_mem>>)
        %dma_wait3A_255 = tpu.memref_slice %arg2[%add3A_80] : memref<819200xi32, #tpu.memory_space<hbm>> -> memref<5120xi32, #tpu.memory_space<hbm>>
        %dma_wait3A_256 = tpu.memref_slice %arg2[%add3A_80] : memref<819200xi32, #tpu.memory_space<hbm>> -> memref<5120xi32, #tpu.memory_space<hbm>>
        tpu.wait_dma2 semaphore(%run_scoped3A_252 : memref<!tpu.dma_semaphore, #tpu.memory_space<semaphore_mem>>) src(%dma_wait3A_256 : memref<5120xi32, #tpu.memory_space<hbm>>) dst(%arg10 : memref<5120xi32, #tpu.memory_space<vmem>>)
        tpu.yield
      }) : () -> ()
    } else {
    }
    %eq3A_86 = arith.constant 1 : i32
    %eq3A_87 = arith.cmpi eq, %arg0, %eq3A_86 : i32
    %convert_element_type3A_88 = arith.extui %eq3A_87 : i1 to i32
    %cond3A_89 = arith.constant 0 : i32
    %cond3A_90 = arith.cmpi ne, %convert_element_type3A_88, %cond3A_89 : i32
    scf.if %cond3A_90 {
      "tpu.region"() ({
        %run_scoped3A_252 = tpu.sem_alloc : memref<!tpu.dma_semaphore, #tpu.memory_space<semaphore_mem>>
        %dma_start3A_253 = tpu.memref_slice %arg3[%add3A_80] : memref<819200xi32, #tpu.memory_space<hbm>> -> memref<5120xi32, #tpu.memory_space<hbm>>
        %dma_start3A_254 = tpu.memref_slice %arg3[%add3A_80] : memref<819200xi32, #tpu.memory_space<hbm>> -> memref<5120xi32, #tpu.memory_space<hbm>>
        tpu.enqueue_dma source(%dma_start3A_254 : memref<5120xi32, #tpu.memory_space<hbm>>) target(%arg10 : memref<5120xi32, #tpu.memory_space<vmem>>) target_semaphore(%run_scoped3A_252 : memref<!tpu.dma_semaphore, #tpu.memory_space<semaphore_mem>>)
        %dma_wait3A_255 = tpu.memref_slice %arg3[%add3A_80] : memref<819200xi32, #tpu.memory_space<hbm>> -> memref<5120xi32, #tpu.memory_space<hbm>>
        %dma_wait3A_256 = tpu.memref_slice %arg3[%add3A_80] : memref<819200xi32, #tpu.memory_space<hbm>> -> memref<5120xi32, #tpu.memory_space<hbm>>
        tpu.wait_dma2 semaphore(%run_scoped3A_252 : memref<!tpu.dma_semaphore, #tpu.memory_space<semaphore_mem>>) src(%dma_wait3A_256 : memref<5120xi32, #tpu.memory_space<hbm>>) dst(%arg10 : memref<5120xi32, #tpu.memory_space<vmem>>)
        tpu.yield
      }) : () -> ()
    } else {
    }
    "tpu.region"() ({
      %run_scoped3A_252 = tpu.sem_alloc : memref<!tpu.dma_semaphore, #tpu.memory_space<semaphore_mem>>
      %dma_start3A_253 = arith.constant 0 : i32
      %dma_start3A_254 = tpu.memref_slice %arg9[%dma_start3A_253] : memref<6400xf32, #tpu.memory_space<vmem>> -> memref<5120xf32, #tpu.memory_space<vmem>>
      %dma_start3A_255 = arith.constant 0 : i32
      %dma_start3A_256 = tpu.memref_slice %arg7[%dma_start3A_255] : memref<102400xf32, #tpu.memory_space<vmem_shared>> -> memref<102400xf32, #tpu.memory_space<vmem_shared>>
      tpu.enqueue_indirect_dma source(%dma_start3A_254 : memref<5120xf32, #tpu.memory_space<vmem>>) target(%dma_start3A_256 : memref<102400xf32, #tpu.memory_space<vmem_shared>>) offsets(%arg10 : memref<5120xi32, #tpu.memory_space<vmem>>) semaphore(%run_scoped3A_252 : memref<!tpu.dma_semaphore, #tpu.memory_space<semaphore_mem>>) {add = true}
      %dma_wait3A_257 = arith.constant 0 : i32
      %dma_wait3A_258 = tpu.memref_slice %arg9[%dma_wait3A_257] : memref<6400xf32, #tpu.memory_space<vmem>> -> memref<5120xf32, #tpu.memory_space<vmem>>
      %dma_wait3A_259 = arith.constant 0 : i32
      %dma_wait3A_260 = tpu.memref_slice %arg7[%dma_wait3A_259] : memref<102400xf32, #tpu.memory_space<vmem_shared>> -> memref<102400xf32, #tpu.memory_space<vmem_shared>>
      tpu.wait_indirect_dma semaphore(%run_scoped3A_252 : memref<!tpu.dma_semaphore, #tpu.memory_space<semaphore_mem>>) src(%dma_wait3A_258 : memref<5120xf32, #tpu.memory_space<vmem>>) dst(%dma_wait3A_260 : memref<102400xf32, #tpu.memory_space<vmem_shared>>)
      tpu.yield
    }) : () -> ()
    %add3A_91 = arith.constant 35840 : i32
    %add3A_92 = arith.addi %mul3A_10, %add3A_91 : i32
    %eq3A_93 = arith.constant 0 : i32
    %eq3A_94 = arith.cmpi eq, %arg0, %eq3A_93 : i32
    %convert_element_type3A_95 = arith.extui %eq3A_94 : i1 to i32
    %cond3A_96 = arith.constant 0 : i32
    %cond3A_97 = arith.cmpi ne, %convert_element_type3A_95, %cond3A_96 : i32
    scf.if %cond3A_97 {
      "tpu.region"() ({
        %run_scoped3A_252 = tpu.sem_alloc : memref<!tpu.dma_semaphore, #tpu.memory_space<semaphore_mem>>
        %dma_start3A_253 = tpu.memref_slice %arg2[%add3A_92] : memref<819200xi32, #tpu.memory_space<hbm>> -> memref<5120xi32, #tpu.memory_space<hbm>>
        %dma_start3A_254 = tpu.memref_slice %arg2[%add3A_92] : memref<819200xi32, #tpu.memory_space<hbm>> -> memref<5120xi32, #tpu.memory_space<hbm>>
        tpu.enqueue_dma source(%dma_start3A_254 : memref<5120xi32, #tpu.memory_space<hbm>>) target(%arg10 : memref<5120xi32, #tpu.memory_space<vmem>>) target_semaphore(%run_scoped3A_252 : memref<!tpu.dma_semaphore, #tpu.memory_space<semaphore_mem>>)
        %dma_wait3A_255 = tpu.memref_slice %arg2[%add3A_92] : memref<819200xi32, #tpu.memory_space<hbm>> -> memref<5120xi32, #tpu.memory_space<hbm>>
        %dma_wait3A_256 = tpu.memref_slice %arg2[%add3A_92] : memref<819200xi32, #tpu.memory_space<hbm>> -> memref<5120xi32, #tpu.memory_space<hbm>>
        tpu.wait_dma2 semaphore(%run_scoped3A_252 : memref<!tpu.dma_semaphore, #tpu.memory_space<semaphore_mem>>) src(%dma_wait3A_256 : memref<5120xi32, #tpu.memory_space<hbm>>) dst(%arg10 : memref<5120xi32, #tpu.memory_space<vmem>>)
        tpu.yield
      }) : () -> ()
    } else {
    }
    %eq3A_98 = arith.constant 1 : i32
    %eq3A_99 = arith.cmpi eq, %arg0, %eq3A_98 : i32
    %convert_element_type3A_100 = arith.extui %eq3A_99 : i1 to i32
    %cond3A_101 = arith.constant 0 : i32
    %cond3A_102 = arith.cmpi ne, %convert_element_type3A_100, %cond3A_101 : i32
    scf.if %cond3A_102 {
      "tpu.region"() ({
        %run_scoped3A_252 = tpu.sem_alloc : memref<!tpu.dma_semaphore, #tpu.memory_space<semaphore_mem>>
        %dma_start3A_253 = tpu.memref_slice %arg3[%add3A_92] : memref<819200xi32, #tpu.memory_space<hbm>> -> memref<5120xi32, #tpu.memory_space<hbm>>
        %dma_start3A_254 = tpu.memref_slice %arg3[%add3A_92] : memref<819200xi32, #tpu.memory_space<hbm>> -> memref<5120xi32, #tpu.memory_space<hbm>>
        tpu.enqueue_dma source(%dma_start3A_254 : memref<5120xi32, #tpu.memory_space<hbm>>) target(%arg10 : memref<5120xi32, #tpu.memory_space<vmem>>) target_semaphore(%run_scoped3A_252 : memref<!tpu.dma_semaphore, #tpu.memory_space<semaphore_mem>>)
        %dma_wait3A_255 = tpu.memref_slice %arg3[%add3A_92] : memref<819200xi32, #tpu.memory_space<hbm>> -> memref<5120xi32, #tpu.memory_space<hbm>>
        %dma_wait3A_256 = tpu.memref_slice %arg3[%add3A_92] : memref<819200xi32, #tpu.memory_space<hbm>> -> memref<5120xi32, #tpu.memory_space<hbm>>
        tpu.wait_dma2 semaphore(%run_scoped3A_252 : memref<!tpu.dma_semaphore, #tpu.memory_space<semaphore_mem>>) src(%dma_wait3A_256 : memref<5120xi32, #tpu.memory_space<hbm>>) dst(%arg10 : memref<5120xi32, #tpu.memory_space<vmem>>)
        tpu.yield
      }) : () -> ()
    } else {
    }
    "tpu.region"() ({
      %run_scoped3A_252 = tpu.sem_alloc : memref<!tpu.dma_semaphore, #tpu.memory_space<semaphore_mem>>
      %dma_start3A_253 = arith.constant 0 : i32
      %dma_start3A_254 = tpu.memref_slice %arg9[%dma_start3A_253] : memref<6400xf32, #tpu.memory_space<vmem>> -> memref<5120xf32, #tpu.memory_space<vmem>>
      %dma_start3A_255 = arith.constant 0 : i32
      %dma_start3A_256 = tpu.memref_slice %arg7[%dma_start3A_255] : memref<102400xf32, #tpu.memory_space<vmem_shared>> -> memref<102400xf32, #tpu.memory_space<vmem_shared>>
      tpu.enqueue_indirect_dma source(%dma_start3A_254 : memref<5120xf32, #tpu.memory_space<vmem>>) target(%dma_start3A_256 : memref<102400xf32, #tpu.memory_space<vmem_shared>>) offsets(%arg10 : memref<5120xi32, #tpu.memory_space<vmem>>) semaphore(%run_scoped3A_252 : memref<!tpu.dma_semaphore, #tpu.memory_space<semaphore_mem>>) {add = true}
      %dma_wait3A_257 = arith.constant 0 : i32
      %dma_wait3A_258 = tpu.memref_slice %arg9[%dma_wait3A_257] : memref<6400xf32, #tpu.memory_space<vmem>> -> memref<5120xf32, #tpu.memory_space<vmem>>
      %dma_wait3A_259 = arith.constant 0 : i32
      %dma_wait3A_260 = tpu.memref_slice %arg7[%dma_wait3A_259] : memref<102400xf32, #tpu.memory_space<vmem_shared>> -> memref<102400xf32, #tpu.memory_space<vmem_shared>>
      tpu.wait_indirect_dma semaphore(%run_scoped3A_252 : memref<!tpu.dma_semaphore, #tpu.memory_space<semaphore_mem>>) src(%dma_wait3A_258 : memref<5120xf32, #tpu.memory_space<vmem>>) dst(%dma_wait3A_260 : memref<102400xf32, #tpu.memory_space<vmem_shared>>)
      tpu.yield
    }) : () -> ()
    %add3A_103 = arith.constant 40960 : i32
    %add3A_104 = arith.addi %mul3A_10, %add3A_103 : i32
    %eq3A_105 = arith.constant 0 : i32
    %eq3A_106 = arith.cmpi eq, %arg0, %eq3A_105 : i32
    %convert_element_type3A_107 = arith.extui %eq3A_106 : i1 to i32
    %cond3A_108 = arith.constant 0 : i32
    %cond3A_109 = arith.cmpi ne, %convert_element_type3A_107, %cond3A_108 : i32
    scf.if %cond3A_109 {
      "tpu.region"() ({
        %run_scoped3A_252 = tpu.sem_alloc : memref<!tpu.dma_semaphore, #tpu.memory_space<semaphore_mem>>
        %dma_start3A_253 = tpu.memref_slice %arg2[%add3A_104] : memref<819200xi32, #tpu.memory_space<hbm>> -> memref<5120xi32, #tpu.memory_space<hbm>>
        %dma_start3A_254 = tpu.memref_slice %arg2[%add3A_104] : memref<819200xi32, #tpu.memory_space<hbm>> -> memref<5120xi32, #tpu.memory_space<hbm>>
        tpu.enqueue_dma source(%dma_start3A_254 : memref<5120xi32, #tpu.memory_space<hbm>>) target(%arg10 : memref<5120xi32, #tpu.memory_space<vmem>>) target_semaphore(%run_scoped3A_252 : memref<!tpu.dma_semaphore, #tpu.memory_space<semaphore_mem>>)
        %dma_wait3A_255 = tpu.memref_slice %arg2[%add3A_104] : memref<819200xi32, #tpu.memory_space<hbm>> -> memref<5120xi32, #tpu.memory_space<hbm>>
        %dma_wait3A_256 = tpu.memref_slice %arg2[%add3A_104] : memref<819200xi32, #tpu.memory_space<hbm>> -> memref<5120xi32, #tpu.memory_space<hbm>>
        tpu.wait_dma2 semaphore(%run_scoped3A_252 : memref<!tpu.dma_semaphore, #tpu.memory_space<semaphore_mem>>) src(%dma_wait3A_256 : memref<5120xi32, #tpu.memory_space<hbm>>) dst(%arg10 : memref<5120xi32, #tpu.memory_space<vmem>>)
        tpu.yield
      }) : () -> ()
    } else {
    }
    %eq3A_110 = arith.constant 1 : i32
    %eq3A_111 = arith.cmpi eq, %arg0, %eq3A_110 : i32
    %convert_element_type3A_112 = arith.extui %eq3A_111 : i1 to i32
    %cond3A_113 = arith.constant 0 : i32
    %cond3A_114 = arith.cmpi ne, %convert_element_type3A_112, %cond3A_113 : i32
    scf.if %cond3A_114 {
      "tpu.region"() ({
        %run_scoped3A_252 = tpu.sem_alloc : memref<!tpu.dma_semaphore, #tpu.memory_space<semaphore_mem>>
        %dma_start3A_253 = tpu.memref_slice %arg3[%add3A_104] : memref<819200xi32, #tpu.memory_space<hbm>> -> memref<5120xi32, #tpu.memory_space<hbm>>
        %dma_start3A_254 = tpu.memref_slice %arg3[%add3A_104] : memref<819200xi32, #tpu.memory_space<hbm>> -> memref<5120xi32, #tpu.memory_space<hbm>>
        tpu.enqueue_dma source(%dma_start3A_254 : memref<5120xi32, #tpu.memory_space<hbm>>) target(%arg10 : memref<5120xi32, #tpu.memory_space<vmem>>) target_semaphore(%run_scoped3A_252 : memref<!tpu.dma_semaphore, #tpu.memory_space<semaphore_mem>>)
        %dma_wait3A_255 = tpu.memref_slice %arg3[%add3A_104] : memref<819200xi32, #tpu.memory_space<hbm>> -> memref<5120xi32, #tpu.memory_space<hbm>>
        %dma_wait3A_256 = tpu.memref_slice %arg3[%add3A_104] : memref<819200xi32, #tpu.memory_space<hbm>> -> memref<5120xi32, #tpu.memory_space<hbm>>
        tpu.wait_dma2 semaphore(%run_scoped3A_252 : memref<!tpu.dma_semaphore, #tpu.memory_space<semaphore_mem>>) src(%dma_wait3A_256 : memref<5120xi32, #tpu.memory_space<hbm>>) dst(%arg10 : memref<5120xi32, #tpu.memory_space<vmem>>)
        tpu.yield
      }) : () -> ()
    } else {
    }
    "tpu.region"() ({
      %run_scoped3A_252 = tpu.sem_alloc : memref<!tpu.dma_semaphore, #tpu.memory_space<semaphore_mem>>
      %dma_start3A_253 = arith.constant 0 : i32
      %dma_start3A_254 = tpu.memref_slice %arg9[%dma_start3A_253] : memref<6400xf32, #tpu.memory_space<vmem>> -> memref<5120xf32, #tpu.memory_space<vmem>>
      %dma_start3A_255 = arith.constant 0 : i32
      %dma_start3A_256 = tpu.memref_slice %arg7[%dma_start3A_255] : memref<102400xf32, #tpu.memory_space<vmem_shared>> -> memref<102400xf32, #tpu.memory_space<vmem_shared>>
      tpu.enqueue_indirect_dma source(%dma_start3A_254 : memref<5120xf32, #tpu.memory_space<vmem>>) target(%dma_start3A_256 : memref<102400xf32, #tpu.memory_space<vmem_shared>>) offsets(%arg10 : memref<5120xi32, #tpu.memory_space<vmem>>) semaphore(%run_scoped3A_252 : memref<!tpu.dma_semaphore, #tpu.memory_space<semaphore_mem>>) {add = true}
      %dma_wait3A_257 = arith.constant 0 : i32
      %dma_wait3A_258 = tpu.memref_slice %arg9[%dma_wait3A_257] : memref<6400xf32, #tpu.memory_space<vmem>> -> memref<5120xf32, #tpu.memory_space<vmem>>
      %dma_wait3A_259 = arith.constant 0 : i32
      %dma_wait3A_260 = tpu.memref_slice %arg7[%dma_wait3A_259] : memref<102400xf32, #tpu.memory_space<vmem_shared>> -> memref<102400xf32, #tpu.memory_space<vmem_shared>>
      tpu.wait_indirect_dma semaphore(%run_scoped3A_252 : memref<!tpu.dma_semaphore, #tpu.memory_space<semaphore_mem>>) src(%dma_wait3A_258 : memref<5120xf32, #tpu.memory_space<vmem>>) dst(%dma_wait3A_260 : memref<102400xf32, #tpu.memory_space<vmem_shared>>)
      tpu.yield
    }) : () -> ()
    %add3A_115 = arith.constant 46080 : i32
    %add3A_116 = arith.addi %mul3A_10, %add3A_115 : i32
    %eq3A_117 = arith.constant 0 : i32
    %eq3A_118 = arith.cmpi eq, %arg0, %eq3A_117 : i32
    %convert_element_type3A_119 = arith.extui %eq3A_118 : i1 to i32
    %cond3A_120 = arith.constant 0 : i32
    %cond3A_121 = arith.cmpi ne, %convert_element_type3A_119, %cond3A_120 : i32
    scf.if %cond3A_121 {
      "tpu.region"() ({
        %run_scoped3A_252 = tpu.sem_alloc : memref<!tpu.dma_semaphore, #tpu.memory_space<semaphore_mem>>
        %dma_start3A_253 = tpu.memref_slice %arg2[%add3A_116] : memref<819200xi32, #tpu.memory_space<hbm>> -> memref<5120xi32, #tpu.memory_space<hbm>>
        %dma_start3A_254 = tpu.memref_slice %arg2[%add3A_116] : memref<819200xi32, #tpu.memory_space<hbm>> -> memref<5120xi32, #tpu.memory_space<hbm>>
        tpu.enqueue_dma source(%dma_start3A_254 : memref<5120xi32, #tpu.memory_space<hbm>>) target(%arg10 : memref<5120xi32, #tpu.memory_space<vmem>>) target_semaphore(%run_scoped3A_252 : memref<!tpu.dma_semaphore, #tpu.memory_space<semaphore_mem>>)
        %dma_wait3A_255 = tpu.memref_slice %arg2[%add3A_116] : memref<819200xi32, #tpu.memory_space<hbm>> -> memref<5120xi32, #tpu.memory_space<hbm>>
        %dma_wait3A_256 = tpu.memref_slice %arg2[%add3A_116] : memref<819200xi32, #tpu.memory_space<hbm>> -> memref<5120xi32, #tpu.memory_space<hbm>>
        tpu.wait_dma2 semaphore(%run_scoped3A_252 : memref<!tpu.dma_semaphore, #tpu.memory_space<semaphore_mem>>) src(%dma_wait3A_256 : memref<5120xi32, #tpu.memory_space<hbm>>) dst(%arg10 : memref<5120xi32, #tpu.memory_space<vmem>>)
        tpu.yield
      }) : () -> ()
    } else {
    }
    %eq3A_122 = arith.constant 1 : i32
    %eq3A_123 = arith.cmpi eq, %arg0, %eq3A_122 : i32
    %convert_element_type3A_124 = arith.extui %eq3A_123 : i1 to i32
    %cond3A_125 = arith.constant 0 : i32
    %cond3A_126 = arith.cmpi ne, %convert_element_type3A_124, %cond3A_125 : i32
    scf.if %cond3A_126 {
      "tpu.region"() ({
        %run_scoped3A_252 = tpu.sem_alloc : memref<!tpu.dma_semaphore, #tpu.memory_space<semaphore_mem>>
        %dma_start3A_253 = tpu.memref_slice %arg3[%add3A_116] : memref<819200xi32, #tpu.memory_space<hbm>> -> memref<5120xi32, #tpu.memory_space<hbm>>
        %dma_start3A_254 = tpu.memref_slice %arg3[%add3A_116] : memref<819200xi32, #tpu.memory_space<hbm>> -> memref<5120xi32, #tpu.memory_space<hbm>>
        tpu.enqueue_dma source(%dma_start3A_254 : memref<5120xi32, #tpu.memory_space<hbm>>) target(%arg10 : memref<5120xi32, #tpu.memory_space<vmem>>) target_semaphore(%run_scoped3A_252 : memref<!tpu.dma_semaphore, #tpu.memory_space<semaphore_mem>>)
        %dma_wait3A_255 = tpu.memref_slice %arg3[%add3A_116] : memref<819200xi32, #tpu.memory_space<hbm>> -> memref<5120xi32, #tpu.memory_space<hbm>>
        %dma_wait3A_256 = tpu.memref_slice %arg3[%add3A_116] : memref<819200xi32, #tpu.memory_space<hbm>> -> memref<5120xi32, #tpu.memory_space<hbm>>
        tpu.wait_dma2 semaphore(%run_scoped3A_252 : memref<!tpu.dma_semaphore, #tpu.memory_space<semaphore_mem>>) src(%dma_wait3A_256 : memref<5120xi32, #tpu.memory_space<hbm>>) dst(%arg10 : memref<5120xi32, #tpu.memory_space<vmem>>)
        tpu.yield
      }) : () -> ()
    } else {
    }
    "tpu.region"() ({
      %run_scoped3A_252 = tpu.sem_alloc : memref<!tpu.dma_semaphore, #tpu.memory_space<semaphore_mem>>
      %dma_start3A_253 = arith.constant 0 : i32
      %dma_start3A_254 = tpu.memref_slice %arg9[%dma_start3A_253] : memref<6400xf32, #tpu.memory_space<vmem>> -> memref<5120xf32, #tpu.memory_space<vmem>>
      %dma_start3A_255 = arith.constant 0 : i32
      %dma_start3A_256 = tpu.memref_slice %arg7[%dma_start3A_255] : memref<102400xf32, #tpu.memory_space<vmem_shared>> -> memref<102400xf32, #tpu.memory_space<vmem_shared>>
      tpu.enqueue_indirect_dma source(%dma_start3A_254 : memref<5120xf32, #tpu.memory_space<vmem>>) target(%dma_start3A_256 : memref<102400xf32, #tpu.memory_space<vmem_shared>>) offsets(%arg10 : memref<5120xi32, #tpu.memory_space<vmem>>) semaphore(%run_scoped3A_252 : memref<!tpu.dma_semaphore, #tpu.memory_space<semaphore_mem>>) {add = true}
      %dma_wait3A_257 = arith.constant 0 : i32
      %dma_wait3A_258 = tpu.memref_slice %arg9[%dma_wait3A_257] : memref<6400xf32, #tpu.memory_space<vmem>> -> memref<5120xf32, #tpu.memory_space<vmem>>
      %dma_wait3A_259 = arith.constant 0 : i32
      %dma_wait3A_260 = tpu.memref_slice %arg7[%dma_wait3A_259] : memref<102400xf32, #tpu.memory_space<vmem_shared>> -> memref<102400xf32, #tpu.memory_space<vmem_shared>>
      tpu.wait_indirect_dma semaphore(%run_scoped3A_252 : memref<!tpu.dma_semaphore, #tpu.memory_space<semaphore_mem>>) src(%dma_wait3A_258 : memref<5120xf32, #tpu.memory_space<vmem>>) dst(%dma_wait3A_260 : memref<102400xf32, #tpu.memory_space<vmem_shared>>)
      tpu.yield
    }) : () -> ()
    %barrier3A_127 = arith.constant 0 : index
    tpu.barrier barrier_id(%barrier3A_127)
    %mul3A_128 = arith.constant 6400 : i32
    %mul3A_129 = arith.muli %arg1, %mul3A_128 : i32
    %mul3A_130 = arith.constant 6400 : i32
    %mul3A_131 = arith.muli %arg1, %mul3A_130 : i32
    "tpu.region"() ({
      %run_scoped3A_252 = tpu.sem_alloc : memref<!tpu.dma_semaphore, #tpu.memory_space<semaphore_mem>>
      %dma_start3A_253 = tpu.memref_slice %arg6[%arg0, %mul3A_131] : memref<2x102400xf32, #tpu.memory_space<hbm>> -> memref<1x6400xf32, #tpu.memory_space<hbm>>
      %dma_start3A_254 = tpu.memref_squeeze %dma_start3A_253 : memref<1x6400xf32, #tpu.memory_space<hbm>> -> memref<6400xf32, #tpu.memory_space<hbm>>
      %dma_start3A_255 = tpu.memref_slice %arg7[%mul3A_129] : memref<102400xf32, #tpu.memory_space<vmem_shared>> -> memref<6400xf32, #tpu.memory_space<vmem_shared>>
      tpu.enqueue_dma source(%dma_start3A_255 : memref<6400xf32, #tpu.memory_space<vmem_shared>>) target(%dma_start3A_254 : memref<6400xf32, #tpu.memory_space<hbm>>) target_semaphore(%run_scoped3A_252 : memref<!tpu.dma_semaphore, #tpu.memory_space<semaphore_mem>>)
      %dma_wait3A_256 = tpu.memref_slice %arg6[%arg0, %mul3A_131] : memref<2x102400xf32, #tpu.memory_space<hbm>> -> memref<1x6400xf32, #tpu.memory_space<hbm>>
      %dma_wait3A_257 = tpu.memref_squeeze %dma_wait3A_256 : memref<1x6400xf32, #tpu.memory_space<hbm>> -> memref<6400xf32, #tpu.memory_space<hbm>>
      %dma_wait3A_258 = tpu.memref_slice %arg7[%mul3A_129] : memref<102400xf32, #tpu.memory_space<vmem_shared>> -> memref<6400xf32, #tpu.memory_space<vmem_shared>>
      tpu.wait_dma2 semaphore(%run_scoped3A_252 : memref<!tpu.dma_semaphore, #tpu.memory_space<semaphore_mem>>) src(%dma_wait3A_258 : memref<6400xf32, #tpu.memory_space<vmem_shared>>) dst(%dma_wait3A_257 : memref<6400xf32, #tpu.memory_space<hbm>>)
      tpu.yield
    }) : () -> ()
    %mul3A_132 = arith.constant 16 : i32
    %mul3A_133 = arith.muli %arg0, %mul3A_132 : i32
    %add3A_134 = arith.addi %mul3A_133, %arg1 : i32
    %mul3A_135 = arith.constant 512 : i32
    %mul3A_136 = arith.muli %add3A_134, %mul3A_135 : i32
    %add3A_137 = arith.constant 0 : i32
    %add3A_138 = arith.addi %mul3A_136, %add3A_137 : i32
    "tpu.region"() ({
      %run_scoped3A_252 = tpu.sem_alloc : memref<!tpu.dma_semaphore, #tpu.memory_space<semaphore_mem>>
      %dma_start3A_253 = tpu.memref_slice %arg2[%add3A_138] : memref<819200xi32, #tpu.memory_space<hbm>> -> memref<128xi32, #tpu.memory_space<hbm>>
      %dma_start3A_254 = tpu.memref_slice %arg2[%add3A_138] : memref<819200xi32, #tpu.memory_space<hbm>> -> memref<128xi32, #tpu.memory_space<hbm>>
      tpu.enqueue_dma source(%dma_start3A_254 : memref<128xi32, #tpu.memory_space<hbm>>) target(%arg11 : memref<128xi32, #tpu.memory_space<vmem>>) target_semaphore(%run_scoped3A_252 : memref<!tpu.dma_semaphore, #tpu.memory_space<semaphore_mem>>)
      %dma_wait3A_255 = tpu.memref_slice %arg2[%add3A_138] : memref<819200xi32, #tpu.memory_space<hbm>> -> memref<128xi32, #tpu.memory_space<hbm>>
      %dma_wait3A_256 = tpu.memref_slice %arg2[%add3A_138] : memref<819200xi32, #tpu.memory_space<hbm>> -> memref<128xi32, #tpu.memory_space<hbm>>
      tpu.wait_dma2 semaphore(%run_scoped3A_252 : memref<!tpu.dma_semaphore, #tpu.memory_space<semaphore_mem>>) src(%dma_wait3A_256 : memref<128xi32, #tpu.memory_space<hbm>>) dst(%arg11 : memref<128xi32, #tpu.memory_space<vmem>>)
      tpu.yield
    }) : () -> ()
    %dma_start3A = arith.constant 0 : i32
    %dma_start3A_139 = arith.constant 0 : i32
    %dma_start3A_140 = tpu.memref_slice %arg4[%dma_start3A, %dma_start3A_139] : memref<100001x64xf32, #tpu.memory_space<hbm>> -> memref<100001x64xf32, #tpu.memory_space<hbm>>
    tpu.enqueue_indirect_dma source(%dma_start3A_140 : memref<100001x64xf32, #tpu.memory_space<hbm>>) target(%arg12 : memref<128x64xf32, #tpu.memory_space<vmem>>) offsets(%arg11 : memref<128xi32, #tpu.memory_space<vmem>>) semaphore(%arg14 : memref<!tpu.dma_semaphore, #tpu.memory_space<semaphore_mem>>)
    %dma_wait3A = arith.constant 0 : i32
    %dma_wait3A_141 = arith.constant 0 : i32
    %dma_wait3A_142 = tpu.memref_slice %arg4[%dma_wait3A, %dma_wait3A_141] : memref<100001x64xf32, #tpu.memory_space<hbm>> -> memref<100001x64xf32, #tpu.memory_space<hbm>>
    tpu.wait_indirect_dma semaphore(%arg14 : memref<!tpu.dma_semaphore, #tpu.memory_space<semaphore_mem>>) src(%dma_wait3A_142 : memref<100001x64xf32, #tpu.memory_space<hbm>>) dst(%arg12 : memref<128x64xf32, #tpu.memory_space<vmem>>)
    %mul3A_143 = arith.constant 512 : i32
    %mul3A_144 = arith.muli %add3A_134, %mul3A_143 : i32
    %add3A_145 = arith.constant 128 : i32
    %add3A_146 = arith.addi %mul3A_144, %add3A_145 : i32
    "tpu.region"() ({
      %run_scoped3A_252 = tpu.sem_alloc : memref<!tpu.dma_semaphore, #tpu.memory_space<semaphore_mem>>
      %dma_start3A_253 = tpu.memref_slice %arg2[%add3A_146] : memref<819200xi32, #tpu.memory_space<hbm>> -> memref<128xi32, #tpu.memory_space<hbm>>
      %dma_start3A_254 = tpu.memref_slice %arg2[%add3A_146] : memref<819200xi32, #tpu.memory_space<hbm>> -> memref<128xi32, #tpu.memory_space<hbm>>
      tpu.enqueue_dma source(%dma_start3A_254 : memref<128xi32, #tpu.memory_space<hbm>>) target(%arg11 : memref<128xi32, #tpu.memory_space<vmem>>) target_semaphore(%run_scoped3A_252 : memref<!tpu.dma_semaphore, #tpu.memory_space<semaphore_mem>>)
      %dma_wait3A_255 = tpu.memref_slice %arg2[%add3A_146] : memref<819200xi32, #tpu.memory_space<hbm>> -> memref<128xi32, #tpu.memory_space<hbm>>
      %dma_wait3A_256 = tpu.memref_slice %arg2[%add3A_146] : memref<819200xi32, #tpu.memory_space<hbm>> -> memref<128xi32, #tpu.memory_space<hbm>>
      tpu.wait_dma2 semaphore(%run_scoped3A_252 : memref<!tpu.dma_semaphore, #tpu.memory_space<semaphore_mem>>) src(%dma_wait3A_256 : memref<128xi32, #tpu.memory_space<hbm>>) dst(%arg11 : memref<128xi32, #tpu.memory_space<vmem>>)
      tpu.yield
    }) : () -> ()
    %dma_start3A_147 = arith.constant 0 : i32
    %dma_start3A_148 = arith.constant 0 : i32
    %dma_start3A_149 = tpu.memref_slice %arg4[%dma_start3A_147, %dma_start3A_148] : memref<100001x64xf32, #tpu.memory_space<hbm>> -> memref<100001x64xf32, #tpu.memory_space<hbm>>
    tpu.enqueue_indirect_dma source(%dma_start3A_149 : memref<100001x64xf32, #tpu.memory_space<hbm>>) target(%arg13 : memref<128x64xf32, #tpu.memory_space<vmem>>) offsets(%arg11 : memref<128xi32, #tpu.memory_space<vmem>>) semaphore(%arg15 : memref<!tpu.dma_semaphore, #tpu.memory_space<semaphore_mem>>)
    %mul3A_150 = arith.constant 512 : i32
    %mul3A_151 = arith.muli %add3A_134, %mul3A_150 : i32
    %add3A_152 = arith.constant 0 : i32
    %add3A_153 = arith.addi %mul3A_151, %add3A_152 : i32
    %run_scoped3A = arith.constant 0 : i32
    "tpu.region"() ({
      %run_scoped3A_252 = tpu.sem_alloc : memref<!tpu.dma_semaphore, #tpu.memory_space<semaphore_mem>>
      %dma_start3A_253 = arith.constant 0 : i32
      %dma_start3A_254 = tpu.memref_slice %arg5[%run_scoped3A, %add3A_153, %dma_start3A_253] : memref<2x16384x64xf32, #tpu.memory_space<hbm>> -> memref<1x128x64xf32, #tpu.memory_space<hbm>>
      %dma_start3A_255 = tpu.memref_squeeze %dma_start3A_254 : memref<1x128x64xf32, #tpu.memory_space<hbm>> -> memref<128x64xf32, #tpu.memory_space<hbm>>
      %dma_start3A_256 = arith.constant 0 : i32
      %dma_start3A_257 = tpu.memref_slice %arg5[%run_scoped3A, %add3A_153, %dma_start3A_256] : memref<2x16384x64xf32, #tpu.memory_space<hbm>> -> memref<1x128x64xf32, #tpu.memory_space<hbm>>
      %dma_start3A_258 = tpu.memref_squeeze %dma_start3A_257 : memref<1x128x64xf32, #tpu.memory_space<hbm>> -> memref<128x64xf32, #tpu.memory_space<hbm>>
      tpu.enqueue_dma source(%arg12 : memref<128x64xf32, #tpu.memory_space<vmem>>) target(%dma_start3A_258 : memref<128x64xf32, #tpu.memory_space<hbm>>) target_semaphore(%run_scoped3A_252 : memref<!tpu.dma_semaphore, #tpu.memory_space<semaphore_mem>>)
      %dma_wait3A_259 = arith.constant 0 : i32
      %dma_wait3A_260 = tpu.memref_slice %arg5[%run_scoped3A, %add3A_153, %dma_wait3A_259] : memref<2x16384x64xf32, #tpu.memory_space<hbm>> -> memref<1x128x64xf32, #tpu.memory_space<hbm>>
      %dma_wait3A_261 = tpu.memref_squeeze %dma_wait3A_260 : memref<1x128x64xf32, #tpu.memory_space<hbm>> -> memref<128x64xf32, #tpu.memory_space<hbm>>
      %dma_wait3A_262 = arith.constant 0 : i32
      %dma_wait3A_263 = tpu.memref_slice %arg5[%run_scoped3A, %add3A_153, %dma_wait3A_262] : memref<2x16384x64xf32, #tpu.memory_space<hbm>> -> memref<1x128x64xf32, #tpu.memory_space<hbm>>
      %dma_wait3A_264 = tpu.memref_squeeze %dma_wait3A_263 : memref<1x128x64xf32, #tpu.memory_space<hbm>> -> memref<128x64xf32, #tpu.memory_space<hbm>>
      tpu.wait_dma2 semaphore(%run_scoped3A_252 : memref<!tpu.dma_semaphore, #tpu.memory_space<semaphore_mem>>) src(%arg12 : memref<128x64xf32, #tpu.memory_space<vmem>>) dst(%dma_wait3A_264 : memref<128x64xf32, #tpu.memory_space<hbm>>)
      tpu.yield
    }) : () -> ()
    %dma_wait3A_154 = arith.constant 0 : i32
    %dma_wait3A_155 = arith.constant 0 : i32
    %dma_wait3A_156 = tpu.memref_slice %arg4[%dma_wait3A_154, %dma_wait3A_155] : memref<100001x64xf32, #tpu.memory_space<hbm>> -> memref<100001x64xf32, #tpu.memory_space<hbm>>
    tpu.wait_indirect_dma semaphore(%arg15 : memref<!tpu.dma_semaphore, #tpu.memory_space<semaphore_mem>>) src(%dma_wait3A_156 : memref<100001x64xf32, #tpu.memory_space<hbm>>) dst(%arg13 : memref<128x64xf32, #tpu.memory_space<vmem>>)
    %mul3A_157 = arith.constant 512 : i32
    %mul3A_158 = arith.muli %add3A_134, %mul3A_157 : i32
    %add3A_159 = arith.constant 256 : i32
    %add3A_160 = arith.addi %mul3A_158, %add3A_159 : i32
    "tpu.region"() ({
      %run_scoped3A_252 = tpu.sem_alloc : memref<!tpu.dma_semaphore, #tpu.memory_space<semaphore_mem>>
      %dma_start3A_253 = tpu.memref_slice %arg2[%add3A_160] : memref<819200xi32, #tpu.memory_space<hbm>> -> memref<128xi32, #tpu.memory_space<hbm>>
      %dma_start3A_254 = tpu.memref_slice %arg2[%add3A_160] : memref<819200xi32, #tpu.memory_space<hbm>> -> memref<128xi32, #tpu.memory_space<hbm>>
      tpu.enqueue_dma source(%dma_start3A_254 : memref<128xi32, #tpu.memory_space<hbm>>) target(%arg11 : memref<128xi32, #tpu.memory_space<vmem>>) target_semaphore(%run_scoped3A_252 : memref<!tpu.dma_semaphore, #tpu.memory_space<semaphore_mem>>)
      %dma_wait3A_255 = tpu.memref_slice %arg2[%add3A_160] : memref<819200xi32, #tpu.memory_space<hbm>> -> memref<128xi32, #tpu.memory_space<hbm>>
      %dma_wait3A_256 = tpu.memref_slice %arg2[%add3A_160] : memref<819200xi32, #tpu.memory_space<hbm>> -> memref<128xi32, #tpu.memory_space<hbm>>
      tpu.wait_dma2 semaphore(%run_scoped3A_252 : memref<!tpu.dma_semaphore, #tpu.memory_space<semaphore_mem>>) src(%dma_wait3A_256 : memref<128xi32, #tpu.memory_space<hbm>>) dst(%arg11 : memref<128xi32, #tpu.memory_space<vmem>>)
      tpu.yield
    }) : () -> ()
    %dma_start3A_161 = arith.constant 0 : i32
    %dma_start3A_162 = arith.constant 0 : i32
    %dma_start3A_163 = tpu.memref_slice %arg4[%dma_start3A_161, %dma_start3A_162] : memref<100001x64xf32, #tpu.memory_space<hbm>> -> memref<100001x64xf32, #tpu.memory_space<hbm>>
    tpu.enqueue_indirect_dma source(%dma_start3A_163 : memref<100001x64xf32, #tpu.memory_space<hbm>>) target(%arg12 : memref<128x64xf32, #tpu.memory_space<vmem>>) offsets(%arg11 : memref<128xi32, #tpu.memory_space<vmem>>) semaphore(%arg14 : memref<!tpu.dma_semaphore, #tpu.memory_space<semaphore_mem>>)
    %mul3A_164 = arith.constant 512 : i32
    %mul3A_165 = arith.muli %add3A_134, %mul3A_164 : i32
    %add3A_166 = arith.constant 128 : i32
    %add3A_167 = arith.addi %mul3A_165, %add3A_166 : i32
    %run_scoped3A_168 = arith.constant 0 : i32
    "tpu.region"() ({
      %run_scoped3A_252 = tpu.sem_alloc : memref<!tpu.dma_semaphore, #tpu.memory_space<semaphore_mem>>
      %dma_start3A_253 = arith.constant 0 : i32
      %dma_start3A_254 = tpu.memref_slice %arg5[%run_scoped3A_168, %add3A_167, %dma_start3A_253] : memref<2x16384x64xf32, #tpu.memory_space<hbm>> -> memref<1x128x64xf32, #tpu.memory_space<hbm>>
      %dma_start3A_255 = tpu.memref_squeeze %dma_start3A_254 : memref<1x128x64xf32, #tpu.memory_space<hbm>> -> memref<128x64xf32, #tpu.memory_space<hbm>>
      %dma_start3A_256 = arith.constant 0 : i32
      %dma_start3A_257 = tpu.memref_slice %arg5[%run_scoped3A_168, %add3A_167, %dma_start3A_256] : memref<2x16384x64xf32, #tpu.memory_space<hbm>> -> memref<1x128x64xf32, #tpu.memory_space<hbm>>
      %dma_start3A_258 = tpu.memref_squeeze %dma_start3A_257 : memref<1x128x64xf32, #tpu.memory_space<hbm>> -> memref<128x64xf32, #tpu.memory_space<hbm>>
      tpu.enqueue_dma source(%arg13 : memref<128x64xf32, #tpu.memory_space<vmem>>) target(%dma_start3A_258 : memref<128x64xf32, #tpu.memory_space<hbm>>) target_semaphore(%run_scoped3A_252 : memref<!tpu.dma_semaphore, #tpu.memory_space<semaphore_mem>>)
      %dma_wait3A_259 = arith.constant 0 : i32
      %dma_wait3A_260 = tpu.memref_slice %arg5[%run_scoped3A_168, %add3A_167, %dma_wait3A_259] : memref<2x16384x64xf32, #tpu.memory_space<hbm>> -> memref<1x128x64xf32, #tpu.memory_space<hbm>>
      %dma_wait3A_261 = tpu.memref_squeeze %dma_wait3A_260 : memref<1x128x64xf32, #tpu.memory_space<hbm>> -> memref<128x64xf32, #tpu.memory_space<hbm>>
      %dma_wait3A_262 = arith.constant 0 : i32
      %dma_wait3A_263 = tpu.memref_slice %arg5[%run_scoped3A_168, %add3A_167, %dma_wait3A_262] : memref<2x16384x64xf32, #tpu.memory_space<hbm>> -> memref<1x128x64xf32, #tpu.memory_space<hbm>>
      %dma_wait3A_264 = tpu.memref_squeeze %dma_wait3A_263 : memref<1x128x64xf32, #tpu.memory_space<hbm>> -> memref<128x64xf32, #tpu.memory_space<hbm>>
      tpu.wait_dma2 semaphore(%run_scoped3A_252 : memref<!tpu.dma_semaphore, #tpu.memory_space<semaphore_mem>>) src(%arg13 : memref<128x64xf32, #tpu.memory_space<vmem>>) dst(%dma_wait3A_264 : memref<128x64xf32, #tpu.memory_space<hbm>>)
      tpu.yield
    }) : () -> ()
    %dma_wait3A_169 = arith.constant 0 : i32
    %dma_wait3A_170 = arith.constant 0 : i32
    %dma_wait3A_171 = tpu.memref_slice %arg4[%dma_wait3A_169, %dma_wait3A_170] : memref<100001x64xf32, #tpu.memory_space<hbm>> -> memref<100001x64xf32, #tpu.memory_space<hbm>>
    tpu.wait_indirect_dma semaphore(%arg14 : memref<!tpu.dma_semaphore, #tpu.memory_space<semaphore_mem>>) src(%dma_wait3A_171 : memref<100001x64xf32, #tpu.memory_space<hbm>>) dst(%arg12 : memref<128x64xf32, #tpu.memory_space<vmem>>)
    %mul3A_172 = arith.constant 512 : i32
    %mul3A_173 = arith.muli %add3A_134, %mul3A_172 : i32
    %add3A_174 = arith.constant 384 : i32
    %add3A_175 = arith.addi %mul3A_173, %add3A_174 : i32
    "tpu.region"() ({
      %run_scoped3A_252 = tpu.sem_alloc : memref<!tpu.dma_semaphore, #tpu.memory_space<semaphore_mem>>
      %dma_start3A_253 = tpu.memref_slice %arg2[%add3A_175] : memref<819200xi32, #tpu.memory_space<hbm>> -> memref<128xi32, #tpu.memory_space<hbm>>
      %dma_start3A_254 = tpu.memref_slice %arg2[%add3A_175] : memref<819200xi32, #tpu.memory_space<hbm>> -> memref<128xi32, #tpu.memory_space<hbm>>
      tpu.enqueue_dma source(%dma_start3A_254 : memref<128xi32, #tpu.memory_space<hbm>>) target(%arg11 : memref<128xi32, #tpu.memory_space<vmem>>) target_semaphore(%run_scoped3A_252 : memref<!tpu.dma_semaphore, #tpu.memory_space<semaphore_mem>>)
      %dma_wait3A_255 = tpu.memref_slice %arg2[%add3A_175] : memref<819200xi32, #tpu.memory_space<hbm>> -> memref<128xi32, #tpu.memory_space<hbm>>
      %dma_wait3A_256 = tpu.memref_slice %arg2[%add3A_175] : memref<819200xi32, #tpu.memory_space<hbm>> -> memref<128xi32, #tpu.memory_space<hbm>>
      tpu.wait_dma2 semaphore(%run_scoped3A_252 : memref<!tpu.dma_semaphore, #tpu.memory_space<semaphore_mem>>) src(%dma_wait3A_256 : memref<128xi32, #tpu.memory_space<hbm>>) dst(%arg11 : memref<128xi32, #tpu.memory_space<vmem>>)
      tpu.yield
    }) : () -> ()
    %dma_start3A_176 = arith.constant 0 : i32
    %dma_start3A_177 = arith.constant 0 : i32
    %dma_start3A_178 = tpu.memref_slice %arg4[%dma_start3A_176, %dma_start3A_177] : memref<100001x64xf32, #tpu.memory_space<hbm>> -> memref<100001x64xf32, #tpu.memory_space<hbm>>
    tpu.enqueue_indirect_dma source(%dma_start3A_178 : memref<100001x64xf32, #tpu.memory_space<hbm>>) target(%arg13 : memref<128x64xf32, #tpu.memory_space<vmem>>) offsets(%arg11 : memref<128xi32, #tpu.memory_space<vmem>>) semaphore(%arg15 : memref<!tpu.dma_semaphore, #tpu.memory_space<semaphore_mem>>)
    %mul3A_179 = arith.constant 512 : i32
    %mul3A_180 = arith.muli %add3A_134, %mul3A_179 : i32
    %add3A_181 = arith.constant 256 : i32
    %add3A_182 = arith.addi %mul3A_180, %add3A_181 : i32
    %run_scoped3A_183 = arith.constant 0 : i32
    "tpu.region"() ({
      %run_scoped3A_252 = tpu.sem_alloc : memref<!tpu.dma_semaphore, #tpu.memory_space<semaphore_mem>>
      %dma_start3A_253 = arith.constant 0 : i32
      %dma_start3A_254 = tpu.memref_slice %arg5[%run_scoped3A_183, %add3A_182, %dma_start3A_253] : memref<2x16384x64xf32, #tpu.memory_space<hbm>> -> memref<1x128x64xf32, #tpu.memory_space<hbm>>
      %dma_start3A_255 = tpu.memref_squeeze %dma_start3A_254 : memref<1x128x64xf32, #tpu.memory_space<hbm>> -> memref<128x64xf32, #tpu.memory_space<hbm>>
      %dma_start3A_256 = arith.constant 0 : i32
      %dma_start3A_257 = tpu.memref_slice %arg5[%run_scoped3A_183, %add3A_182, %dma_start3A_256] : memref<2x16384x64xf32, #tpu.memory_space<hbm>> -> memref<1x128x64xf32, #tpu.memory_space<hbm>>
      %dma_start3A_258 = tpu.memref_squeeze %dma_start3A_257 : memref<1x128x64xf32, #tpu.memory_space<hbm>> -> memref<128x64xf32, #tpu.memory_space<hbm>>
      tpu.enqueue_dma source(%arg12 : memref<128x64xf32, #tpu.memory_space<vmem>>) target(%dma_start3A_258 : memref<128x64xf32, #tpu.memory_space<hbm>>) target_semaphore(%run_scoped3A_252 : memref<!tpu.dma_semaphore, #tpu.memory_space<semaphore_mem>>)
      %dma_wait3A_259 = arith.constant 0 : i32
      %dma_wait3A_260 = tpu.memref_slice %arg5[%run_scoped3A_183, %add3A_182, %dma_wait3A_259] : memref<2x16384x64xf32, #tpu.memory_space<hbm>> -> memref<1x128x64xf32, #tpu.memory_space<hbm>>
      %dma_wait3A_261 = tpu.memref_squeeze %dma_wait3A_260 : memref<1x128x64xf32, #tpu.memory_space<hbm>> -> memref<128x64xf32, #tpu.memory_space<hbm>>
      %dma_wait3A_262 = arith.constant 0 : i32
      %dma_wait3A_263 = tpu.memref_slice %arg5[%run_scoped3A_183, %add3A_182, %dma_wait3A_262] : memref<2x16384x64xf32, #tpu.memory_space<hbm>> -> memref<1x128x64xf32, #tpu.memory_space<hbm>>
      %dma_wait3A_264 = tpu.memref_squeeze %dma_wait3A_263 : memref<1x128x64xf32, #tpu.memory_space<hbm>> -> memref<128x64xf32, #tpu.memory_space<hbm>>
      tpu.wait_dma2 semaphore(%run_scoped3A_252 : memref<!tpu.dma_semaphore, #tpu.memory_space<semaphore_mem>>) src(%arg12 : memref<128x64xf32, #tpu.memory_space<vmem>>) dst(%dma_wait3A_264 : memref<128x64xf32, #tpu.memory_space<hbm>>)
      tpu.yield
    }) : () -> ()
    %dma_wait3A_184 = arith.constant 0 : i32
    %dma_wait3A_185 = arith.constant 0 : i32
    %dma_wait3A_186 = tpu.memref_slice %arg4[%dma_wait3A_184, %dma_wait3A_185] : memref<100001x64xf32, #tpu.memory_space<hbm>> -> memref<100001x64xf32, #tpu.memory_space<hbm>>
    tpu.wait_indirect_dma semaphore(%arg15 : memref<!tpu.dma_semaphore, #tpu.memory_space<semaphore_mem>>) src(%dma_wait3A_186 : memref<100001x64xf32, #tpu.memory_space<hbm>>) dst(%arg13 : memref<128x64xf32, #tpu.memory_space<vmem>>)
    %mul3A_187 = arith.constant 512 : i32
    %mul3A_188 = arith.muli %add3A_134, %mul3A_187 : i32
    %add3A_189 = arith.constant 0 : i32
    %add3A_190 = arith.addi %mul3A_188, %add3A_189 : i32
    "tpu.region"() ({
      %run_scoped3A_252 = tpu.sem_alloc : memref<!tpu.dma_semaphore, #tpu.memory_space<semaphore_mem>>
      %dma_start3A_253 = tpu.memref_slice %arg3[%add3A_190] : memref<819200xi32, #tpu.memory_space<hbm>> -> memref<128xi32, #tpu.memory_space<hbm>>
      %dma_start3A_254 = tpu.memref_slice %arg3[%add3A_190] : memref<819200xi32, #tpu.memory_space<hbm>> -> memref<128xi32, #tpu.memory_space<hbm>>
      tpu.enqueue_dma source(%dma_start3A_254 : memref<128xi32, #tpu.memory_space<hbm>>) target(%arg11 : memref<128xi32, #tpu.memory_space<vmem>>) target_semaphore(%run_scoped3A_252 : memref<!tpu.dma_semaphore, #tpu.memory_space<semaphore_mem>>)
      %dma_wait3A_255 = tpu.memref_slice %arg3[%add3A_190] : memref<819200xi32, #tpu.memory_space<hbm>> -> memref<128xi32, #tpu.memory_space<hbm>>
      %dma_wait3A_256 = tpu.memref_slice %arg3[%add3A_190] : memref<819200xi32, #tpu.memory_space<hbm>> -> memref<128xi32, #tpu.memory_space<hbm>>
      tpu.wait_dma2 semaphore(%run_scoped3A_252 : memref<!tpu.dma_semaphore, #tpu.memory_space<semaphore_mem>>) src(%dma_wait3A_256 : memref<128xi32, #tpu.memory_space<hbm>>) dst(%arg11 : memref<128xi32, #tpu.memory_space<vmem>>)
      tpu.yield
    }) : () -> ()
    %dma_start3A_191 = arith.constant 0 : i32
    %dma_start3A_192 = arith.constant 0 : i32
    %dma_start3A_193 = tpu.memref_slice %arg4[%dma_start3A_191, %dma_start3A_192] : memref<100001x64xf32, #tpu.memory_space<hbm>> -> memref<100001x64xf32, #tpu.memory_space<hbm>>
    tpu.enqueue_indirect_dma source(%dma_start3A_193 : memref<100001x64xf32, #tpu.memory_space<hbm>>) target(%arg12 : memref<128x64xf32, #tpu.memory_space<vmem>>) offsets(%arg11 : memref<128xi32, #tpu.memory_space<vmem>>) semaphore(%arg14 : memref<!tpu.dma_semaphore, #tpu.memory_space<semaphore_mem>>)
    %mul3A_194 = arith.constant 512 : i32
    %mul3A_195 = arith.muli %add3A_134, %mul3A_194 : i32
    %add3A_196 = arith.constant 384 : i32
    %add3A_197 = arith.addi %mul3A_195, %add3A_196 : i32
    %run_scoped3A_198 = arith.constant 0 : i32
    "tpu.region"() ({
      %run_scoped3A_252 = tpu.sem_alloc : memref<!tpu.dma_semaphore, #tpu.memory_space<semaphore_mem>>
      %dma_start3A_253 = arith.constant 0 : i32
      %dma_start3A_254 = tpu.memref_slice %arg5[%run_scoped3A_198, %add3A_197, %dma_start3A_253] : memref<2x16384x64xf32, #tpu.memory_space<hbm>> -> memref<1x128x64xf32, #tpu.memory_space<hbm>>
      %dma_start3A_255 = tpu.memref_squeeze %dma_start3A_254 : memref<1x128x64xf32, #tpu.memory_space<hbm>> -> memref<128x64xf32, #tpu.memory_space<hbm>>
      %dma_start3A_256 = arith.constant 0 : i32
      %dma_start3A_257 = tpu.memref_slice %arg5[%run_scoped3A_198, %add3A_197, %dma_start3A_256] : memref<2x16384x64xf32, #tpu.memory_space<hbm>> -> memref<1x128x64xf32, #tpu.memory_space<hbm>>
      %dma_start3A_258 = tpu.memref_squeeze %dma_start3A_257 : memref<1x128x64xf32, #tpu.memory_space<hbm>> -> memref<128x64xf32, #tpu.memory_space<hbm>>
      tpu.enqueue_dma source(%arg13 : memref<128x64xf32, #tpu.memory_space<vmem>>) target(%dma_start3A_258 : memref<128x64xf32, #tpu.memory_space<hbm>>) target_semaphore(%run_scoped3A_252 : memref<!tpu.dma_semaphore, #tpu.memory_space<semaphore_mem>>)
      %dma_wait3A_259 = arith.constant 0 : i32
      %dma_wait3A_260 = tpu.memref_slice %arg5[%run_scoped3A_198, %add3A_197, %dma_wait3A_259] : memref<2x16384x64xf32, #tpu.memory_space<hbm>> -> memref<1x128x64xf32, #tpu.memory_space<hbm>>
      %dma_wait3A_261 = tpu.memref_squeeze %dma_wait3A_260 : memref<1x128x64xf32, #tpu.memory_space<hbm>> -> memref<128x64xf32, #tpu.memory_space<hbm>>
      %dma_wait3A_262 = arith.constant 0 : i32
      %dma_wait3A_263 = tpu.memref_slice %arg5[%run_scoped3A_198, %add3A_197, %dma_wait3A_262] : memref<2x16384x64xf32, #tpu.memory_space<hbm>> -> memref<1x128x64xf32, #tpu.memory_space<hbm>>
      %dma_wait3A_264 = tpu.memref_squeeze %dma_wait3A_263 : memref<1x128x64xf32, #tpu.memory_space<hbm>> -> memref<128x64xf32, #tpu.memory_space<hbm>>
      tpu.wait_dma2 semaphore(%run_scoped3A_252 : memref<!tpu.dma_semaphore, #tpu.memory_space<semaphore_mem>>) src(%arg13 : memref<128x64xf32, #tpu.memory_space<vmem>>) dst(%dma_wait3A_264 : memref<128x64xf32, #tpu.memory_space<hbm>>)
      tpu.yield
    }) : () -> ()
    %dma_wait3A_199 = arith.constant 0 : i32
    %dma_wait3A_200 = arith.constant 0 : i32
    %dma_wait3A_201 = tpu.memref_slice %arg4[%dma_wait3A_199, %dma_wait3A_200] : memref<100001x64xf32, #tpu.memory_space<hbm>> -> memref<100001x64xf32, #tpu.memory_space<hbm>>
    tpu.wait_indirect_dma semaphore(%arg14 : memref<!tpu.dma_semaphore, #tpu.memory_space<semaphore_mem>>) src(%dma_wait3A_201 : memref<100001x64xf32, #tpu.memory_space<hbm>>) dst(%arg12 : memref<128x64xf32, #tpu.memory_space<vmem>>)
    %mul3A_202 = arith.constant 512 : i32
    %mul3A_203 = arith.muli %add3A_134, %mul3A_202 : i32
    %add3A_204 = arith.constant 128 : i32
    %add3A_205 = arith.addi %mul3A_203, %add3A_204 : i32
    "tpu.region"() ({
      %run_scoped3A_252 = tpu.sem_alloc : memref<!tpu.dma_semaphore, #tpu.memory_space<semaphore_mem>>
      %dma_start3A_253 = tpu.memref_slice %arg3[%add3A_205] : memref<819200xi32, #tpu.memory_space<hbm>> -> memref<128xi32, #tpu.memory_space<hbm>>
      %dma_start3A_254 = tpu.memref_slice %arg3[%add3A_205] : memref<819200xi32, #tpu.memory_space<hbm>> -> memref<128xi32, #tpu.memory_space<hbm>>
      tpu.enqueue_dma source(%dma_start3A_254 : memref<128xi32, #tpu.memory_space<hbm>>) target(%arg11 : memref<128xi32, #tpu.memory_space<vmem>>) target_semaphore(%run_scoped3A_252 : memref<!tpu.dma_semaphore, #tpu.memory_space<semaphore_mem>>)
      %dma_wait3A_255 = tpu.memref_slice %arg3[%add3A_205] : memref<819200xi32, #tpu.memory_space<hbm>> -> memref<128xi32, #tpu.memory_space<hbm>>
      %dma_wait3A_256 = tpu.memref_slice %arg3[%add3A_205] : memref<819200xi32, #tpu.memory_space<hbm>> -> memref<128xi32, #tpu.memory_space<hbm>>
      tpu.wait_dma2 semaphore(%run_scoped3A_252 : memref<!tpu.dma_semaphore, #tpu.memory_space<semaphore_mem>>) src(%dma_wait3A_256 : memref<128xi32, #tpu.memory_space<hbm>>) dst(%arg11 : memref<128xi32, #tpu.memory_space<vmem>>)
      tpu.yield
    }) : () -> ()
    %dma_start3A_206 = arith.constant 0 : i32
    %dma_start3A_207 = arith.constant 0 : i32
    %dma_start3A_208 = tpu.memref_slice %arg4[%dma_start3A_206, %dma_start3A_207] : memref<100001x64xf32, #tpu.memory_space<hbm>> -> memref<100001x64xf32, #tpu.memory_space<hbm>>
    tpu.enqueue_indirect_dma source(%dma_start3A_208 : memref<100001x64xf32, #tpu.memory_space<hbm>>) target(%arg13 : memref<128x64xf32, #tpu.memory_space<vmem>>) offsets(%arg11 : memref<128xi32, #tpu.memory_space<vmem>>) semaphore(%arg15 : memref<!tpu.dma_semaphore, #tpu.memory_space<semaphore_mem>>)
    %mul3A_209 = arith.constant 512 : i32
    %mul3A_210 = arith.muli %add3A_134, %mul3A_209 : i32
    %add3A_211 = arith.constant 0 : i32
    %add3A_212 = arith.addi %mul3A_210, %add3A_211 : i32
    %run_scoped3A_213 = arith.constant 1 : i32
    "tpu.region"() ({
      %run_scoped3A_252 = tpu.sem_alloc : memref<!tpu.dma_semaphore, #tpu.memory_space<semaphore_mem>>
      %dma_start3A_253 = arith.constant 0 : i32
      %dma_start3A_254 = tpu.memref_slice %arg5[%run_scoped3A_213, %add3A_212, %dma_start3A_253] : memref<2x16384x64xf32, #tpu.memory_space<hbm>> -> memref<1x128x64xf32, #tpu.memory_space<hbm>>
      %dma_start3A_255 = tpu.memref_squeeze %dma_start3A_254 : memref<1x128x64xf32, #tpu.memory_space<hbm>> -> memref<128x64xf32, #tpu.memory_space<hbm>>
      %dma_start3A_256 = arith.constant 0 : i32
      %dma_start3A_257 = tpu.memref_slice %arg5[%run_scoped3A_213, %add3A_212, %dma_start3A_256] : memref<2x16384x64xf32, #tpu.memory_space<hbm>> -> memref<1x128x64xf32, #tpu.memory_space<hbm>>
      %dma_start3A_258 = tpu.memref_squeeze %dma_start3A_257 : memref<1x128x64xf32, #tpu.memory_space<hbm>> -> memref<128x64xf32, #tpu.memory_space<hbm>>
      tpu.enqueue_dma source(%arg12 : memref<128x64xf32, #tpu.memory_space<vmem>>) target(%dma_start3A_258 : memref<128x64xf32, #tpu.memory_space<hbm>>) target_semaphore(%run_scoped3A_252 : memref<!tpu.dma_semaphore, #tpu.memory_space<semaphore_mem>>)
      %dma_wait3A_259 = arith.constant 0 : i32
      %dma_wait3A_260 = tpu.memref_slice %arg5[%run_scoped3A_213, %add3A_212, %dma_wait3A_259] : memref<2x16384x64xf32, #tpu.memory_space<hbm>> -> memref<1x128x64xf32, #tpu.memory_space<hbm>>
      %dma_wait3A_261 = tpu.memref_squeeze %dma_wait3A_260 : memref<1x128x64xf32, #tpu.memory_space<hbm>> -> memref<128x64xf32, #tpu.memory_space<hbm>>
      %dma_wait3A_262 = arith.constant 0 : i32
      %dma_wait3A_263 = tpu.memref_slice %arg5[%run_scoped3A_213, %add3A_212, %dma_wait3A_262] : memref<2x16384x64xf32, #tpu.memory_space<hbm>> -> memref<1x128x64xf32, #tpu.memory_space<hbm>>
      %dma_wait3A_264 = tpu.memref_squeeze %dma_wait3A_263 : memref<1x128x64xf32, #tpu.memory_space<hbm>> -> memref<128x64xf32, #tpu.memory_space<hbm>>
      tpu.wait_dma2 semaphore(%run_scoped3A_252 : memref<!tpu.dma_semaphore, #tpu.memory_space<semaphore_mem>>) src(%arg12 : memref<128x64xf32, #tpu.memory_space<vmem>>) dst(%dma_wait3A_264 : memref<128x64xf32, #tpu.memory_space<hbm>>)
      tpu.yield
    }) : () -> ()
    %dma_wait3A_214 = arith.constant 0 : i32
    %dma_wait3A_215 = arith.constant 0 : i32
    %dma_wait3A_216 = tpu.memref_slice %arg4[%dma_wait3A_214, %dma_wait3A_215] : memref<100001x64xf32, #tpu.memory_space<hbm>> -> memref<100001x64xf32, #tpu.memory_space<hbm>>
    tpu.wait_indirect_dma semaphore(%arg15 : memref<!tpu.dma_semaphore, #tpu.memory_space<semaphore_mem>>) src(%dma_wait3A_216 : memref<100001x64xf32, #tpu.memory_space<hbm>>) dst(%arg13 : memref<128x64xf32, #tpu.memory_space<vmem>>)
    %mul3A_217 = arith.constant 512 : i32
    %mul3A_218 = arith.muli %add3A_134, %mul3A_217 : i32
    %add3A_219 = arith.constant 256 : i32
    %add3A_220 = arith.addi %mul3A_218, %add3A_219 : i32
    "tpu.region"() ({
      %run_scoped3A_252 = tpu.sem_alloc : memref<!tpu.dma_semaphore, #tpu.memory_space<semaphore_mem>>
      %dma_start3A_253 = tpu.memref_slice %arg3[%add3A_220] : memref<819200xi32, #tpu.memory_space<hbm>> -> memref<128xi32, #tpu.memory_space<hbm>>
      %dma_start3A_254 = tpu.memref_slice %arg3[%add3A_220] : memref<819200xi32, #tpu.memory_space<hbm>> -> memref<128xi32, #tpu.memory_space<hbm>>
      tpu.enqueue_dma source(%dma_start3A_254 : memref<128xi32, #tpu.memory_space<hbm>>) target(%arg11 : memref<128xi32, #tpu.memory_space<vmem>>) target_semaphore(%run_scoped3A_252 : memref<!tpu.dma_semaphore, #tpu.memory_space<semaphore_mem>>)
      %dma_wait3A_255 = tpu.memref_slice %arg3[%add3A_220] : memref<819200xi32, #tpu.memory_space<hbm>> -> memref<128xi32, #tpu.memory_space<hbm>>
      %dma_wait3A_256 = tpu.memref_slice %arg3[%add3A_220] : memref<819200xi32, #tpu.memory_space<hbm>> -> memref<128xi32, #tpu.memory_space<hbm>>
      tpu.wait_dma2 semaphore(%run_scoped3A_252 : memref<!tpu.dma_semaphore, #tpu.memory_space<semaphore_mem>>) src(%dma_wait3A_256 : memref<128xi32, #tpu.memory_space<hbm>>) dst(%arg11 : memref<128xi32, #tpu.memory_space<vmem>>)
      tpu.yield
    }) : () -> ()
    %dma_start3A_221 = arith.constant 0 : i32
    %dma_start3A_222 = arith.constant 0 : i32
    %dma_start3A_223 = tpu.memref_slice %arg4[%dma_start3A_221, %dma_start3A_222] : memref<100001x64xf32, #tpu.memory_space<hbm>> -> memref<100001x64xf32, #tpu.memory_space<hbm>>
    tpu.enqueue_indirect_dma source(%dma_start3A_223 : memref<100001x64xf32, #tpu.memory_space<hbm>>) target(%arg12 : memref<128x64xf32, #tpu.memory_space<vmem>>) offsets(%arg11 : memref<128xi32, #tpu.memory_space<vmem>>) semaphore(%arg14 : memref<!tpu.dma_semaphore, #tpu.memory_space<semaphore_mem>>)
    %mul3A_224 = arith.constant 512 : i32
    %mul3A_225 = arith.muli %add3A_134, %mul3A_224 : i32
    %add3A_226 = arith.constant 128 : i32
    %add3A_227 = arith.addi %mul3A_225, %add3A_226 : i32
    %run_scoped3A_228 = arith.constant 1 : i32
    "tpu.region"() ({
      %run_scoped3A_252 = tpu.sem_alloc : memref<!tpu.dma_semaphore, #tpu.memory_space<semaphore_mem>>
      %dma_start3A_253 = arith.constant 0 : i32
      %dma_start3A_254 = tpu.memref_slice %arg5[%run_scoped3A_228, %add3A_227, %dma_start3A_253] : memref<2x16384x64xf32, #tpu.memory_space<hbm>> -> memref<1x128x64xf32, #tpu.memory_space<hbm>>
      %dma_start3A_255 = tpu.memref_squeeze %dma_start3A_254 : memref<1x128x64xf32, #tpu.memory_space<hbm>> -> memref<128x64xf32, #tpu.memory_space<hbm>>
      %dma_start3A_256 = arith.constant 0 : i32
      %dma_start3A_257 = tpu.memref_slice %arg5[%run_scoped3A_228, %add3A_227, %dma_start3A_256] : memref<2x16384x64xf32, #tpu.memory_space<hbm>> -> memref<1x128x64xf32, #tpu.memory_space<hbm>>
      %dma_start3A_258 = tpu.memref_squeeze %dma_start3A_257 : memref<1x128x64xf32, #tpu.memory_space<hbm>> -> memref<128x64xf32, #tpu.memory_space<hbm>>
      tpu.enqueue_dma source(%arg13 : memref<128x64xf32, #tpu.memory_space<vmem>>) target(%dma_start3A_258 : memref<128x64xf32, #tpu.memory_space<hbm>>) target_semaphore(%run_scoped3A_252 : memref<!tpu.dma_semaphore, #tpu.memory_space<semaphore_mem>>)
      %dma_wait3A_259 = arith.constant 0 : i32
      %dma_wait3A_260 = tpu.memref_slice %arg5[%run_scoped3A_228, %add3A_227, %dma_wait3A_259] : memref<2x16384x64xf32, #tpu.memory_space<hbm>> -> memref<1x128x64xf32, #tpu.memory_space<hbm>>
      %dma_wait3A_261 = tpu.memref_squeeze %dma_wait3A_260 : memref<1x128x64xf32, #tpu.memory_space<hbm>> -> memref<128x64xf32, #tpu.memory_space<hbm>>
      %dma_wait3A_262 = arith.constant 0 : i32
      %dma_wait3A_263 = tpu.memref_slice %arg5[%run_scoped3A_228, %add3A_227, %dma_wait3A_262] : memref<2x16384x64xf32, #tpu.memory_space<hbm>> -> memref<1x128x64xf32, #tpu.memory_space<hbm>>
      %dma_wait3A_264 = tpu.memref_squeeze %dma_wait3A_263 : memref<1x128x64xf32, #tpu.memory_space<hbm>> -> memref<128x64xf32, #tpu.memory_space<hbm>>
      tpu.wait_dma2 semaphore(%run_scoped3A_252 : memref<!tpu.dma_semaphore, #tpu.memory_space<semaphore_mem>>) src(%arg13 : memref<128x64xf32, #tpu.memory_space<vmem>>) dst(%dma_wait3A_264 : memref<128x64xf32, #tpu.memory_space<hbm>>)
      tpu.yield
    }) : () -> ()
    %dma_wait3A_229 = arith.constant 0 : i32
    %dma_wait3A_230 = arith.constant 0 : i32
    %dma_wait3A_231 = tpu.memref_slice %arg4[%dma_wait3A_229, %dma_wait3A_230] : memref<100001x64xf32, #tpu.memory_space<hbm>> -> memref<100001x64xf32, #tpu.memory_space<hbm>>
    tpu.wait_indirect_dma semaphore(%arg14 : memref<!tpu.dma_semaphore, #tpu.memory_space<semaphore_mem>>) src(%dma_wait3A_231 : memref<100001x64xf32, #tpu.memory_space<hbm>>) dst(%arg12 : memref<128x64xf32, #tpu.memory_space<vmem>>)
    %mul3A_232 = arith.constant 512 : i32
    %mul3A_233 = arith.muli %add3A_134, %mul3A_232 : i32
    %add3A_234 = arith.constant 384 : i32
    %add3A_235 = arith.addi %mul3A_233, %add3A_234 : i32
    "tpu.region"() ({
      %run_scoped3A_252 = tpu.sem_alloc : memref<!tpu.dma_semaphore, #tpu.memory_space<semaphore_mem>>
      %dma_start3A_253 = tpu.memref_slice %arg3[%add3A_235] : memref<819200xi32, #tpu.memory_space<hbm>> -> memref<128xi32, #tpu.memory_space<hbm>>
      %dma_start3A_254 = tpu.memref_slice %arg3[%add3A_235] : memref<819200xi32, #tpu.memory_space<hbm>> -> memref<128xi32, #tpu.memory_space<hbm>>
      tpu.enqueue_dma source(%dma_start3A_254 : memref<128xi32, #tpu.memory_space<hbm>>) target(%arg11 : memref<128xi32, #tpu.memory_space<vmem>>) target_semaphore(%run_scoped3A_252 : memref<!tpu.dma_semaphore, #tpu.memory_space<semaphore_mem>>)
      %dma_wait3A_255 = tpu.memref_slice %arg3[%add3A_235] : memref<819200xi32, #tpu.memory_space<hbm>> -> memref<128xi32, #tpu.memory_space<hbm>>
      %dma_wait3A_256 = tpu.memref_slice %arg3[%add3A_235] : memref<819200xi32, #tpu.memory_space<hbm>> -> memref<128xi32, #tpu.memory_space<hbm>>
      tpu.wait_dma2 semaphore(%run_scoped3A_252 : memref<!tpu.dma_semaphore, #tpu.memory_space<semaphore_mem>>) src(%dma_wait3A_256 : memref<128xi32, #tpu.memory_space<hbm>>) dst(%arg11 : memref<128xi32, #tpu.memory_space<vmem>>)
      tpu.yield
    }) : () -> ()
    %dma_start3A_236 = arith.constant 0 : i32
    %dma_start3A_237 = arith.constant 0 : i32
    %dma_start3A_238 = tpu.memref_slice %arg4[%dma_start3A_236, %dma_start3A_237] : memref<100001x64xf32, #tpu.memory_space<hbm>> -> memref<100001x64xf32, #tpu.memory_space<hbm>>
    tpu.enqueue_indirect_dma source(%dma_start3A_238 : memref<100001x64xf32, #tpu.memory_space<hbm>>) target(%arg13 : memref<128x64xf32, #tpu.memory_space<vmem>>) offsets(%arg11 : memref<128xi32, #tpu.memory_space<vmem>>) semaphore(%arg15 : memref<!tpu.dma_semaphore, #tpu.memory_space<semaphore_mem>>)
    %mul3A_239 = arith.constant 512 : i32
    %mul3A_240 = arith.muli %add3A_134, %mul3A_239 : i32
    %add3A_241 = arith.constant 256 : i32
    %add3A_242 = arith.addi %mul3A_240, %add3A_241 : i32
    %run_scoped3A_243 = arith.constant 1 : i32
    "tpu.region"() ({
      %run_scoped3A_252 = tpu.sem_alloc : memref<!tpu.dma_semaphore, #tpu.memory_space<semaphore_mem>>
      %dma_start3A_253 = arith.constant 0 : i32
      %dma_start3A_254 = tpu.memref_slice %arg5[%run_scoped3A_243, %add3A_242, %dma_start3A_253] : memref<2x16384x64xf32, #tpu.memory_space<hbm>> -> memref<1x128x64xf32, #tpu.memory_space<hbm>>
      %dma_start3A_255 = tpu.memref_squeeze %dma_start3A_254 : memref<1x128x64xf32, #tpu.memory_space<hbm>> -> memref<128x64xf32, #tpu.memory_space<hbm>>
      %dma_start3A_256 = arith.constant 0 : i32
      %dma_start3A_257 = tpu.memref_slice %arg5[%run_scoped3A_243, %add3A_242, %dma_start3A_256] : memref<2x16384x64xf32, #tpu.memory_space<hbm>> -> memref<1x128x64xf32, #tpu.memory_space<hbm>>
      %dma_start3A_258 = tpu.memref_squeeze %dma_start3A_257 : memref<1x128x64xf32, #tpu.memory_space<hbm>> -> memref<128x64xf32, #tpu.memory_space<hbm>>
      tpu.enqueue_dma source(%arg12 : memref<128x64xf32, #tpu.memory_space<vmem>>) target(%dma_start3A_258 : memref<128x64xf32, #tpu.memory_space<hbm>>) target_semaphore(%run_scoped3A_252 : memref<!tpu.dma_semaphore, #tpu.memory_space<semaphore_mem>>)
      %dma_wait3A_259 = arith.constant 0 : i32
      %dma_wait3A_260 = tpu.memref_slice %arg5[%run_scoped3A_243, %add3A_242, %dma_wait3A_259] : memref<2x16384x64xf32, #tpu.memory_space<hbm>> -> memref<1x128x64xf32, #tpu.memory_space<hbm>>
      %dma_wait3A_261 = tpu.memref_squeeze %dma_wait3A_260 : memref<1x128x64xf32, #tpu.memory_space<hbm>> -> memref<128x64xf32, #tpu.memory_space<hbm>>
      %dma_wait3A_262 = arith.constant 0 : i32
      %dma_wait3A_263 = tpu.memref_slice %arg5[%run_scoped3A_243, %add3A_242, %dma_wait3A_262] : memref<2x16384x64xf32, #tpu.memory_space<hbm>> -> memref<1x128x64xf32, #tpu.memory_space<hbm>>
      %dma_wait3A_264 = tpu.memref_squeeze %dma_wait3A_263 : memref<1x128x64xf32, #tpu.memory_space<hbm>> -> memref<128x64xf32, #tpu.memory_space<hbm>>
      tpu.wait_dma2 semaphore(%run_scoped3A_252 : memref<!tpu.dma_semaphore, #tpu.memory_space<semaphore_mem>>) src(%arg12 : memref<128x64xf32, #tpu.memory_space<vmem>>) dst(%dma_wait3A_264 : memref<128x64xf32, #tpu.memory_space<hbm>>)
      tpu.yield
    }) : () -> ()
    %dma_wait3A_244 = arith.constant 0 : i32
    %dma_wait3A_245 = arith.constant 0 : i32
    %dma_wait3A_246 = tpu.memref_slice %arg4[%dma_wait3A_244, %dma_wait3A_245] : memref<100001x64xf32, #tpu.memory_space<hbm>> -> memref<100001x64xf32, #tpu.memory_space<hbm>>
    tpu.wait_indirect_dma semaphore(%arg15 : memref<!tpu.dma_semaphore, #tpu.memory_space<semaphore_mem>>) src(%dma_wait3A_246 : memref<100001x64xf32, #tpu.memory_space<hbm>>) dst(%arg13 : memref<128x64xf32, #tpu.memory_space<vmem>>)
    %mul3A_247 = arith.constant 512 : i32
    %mul3A_248 = arith.muli %add3A_134, %mul3A_247 : i32
    %add3A_249 = arith.constant 384 : i32
    %add3A_250 = arith.addi %mul3A_248, %add3A_249 : i32
    %run_scoped3A_251 = arith.constant 1 : i32
    "tpu.region"() ({
      %run_scoped3A_252 = tpu.sem_alloc : memref<!tpu.dma_semaphore, #tpu.memory_space<semaphore_mem>>
      %dma_start3A_253 = arith.constant 0 : i32
      %dma_start3A_254 = tpu.memref_slice %arg5[%run_scoped3A_251, %add3A_250, %dma_start3A_253] : memref<2x16384x64xf32, #tpu.memory_space<hbm>> -> memref<1x128x64xf32, #tpu.memory_space<hbm>>
      %dma_start3A_255 = tpu.memref_squeeze %dma_start3A_254 : memref<1x128x64xf32, #tpu.memory_space<hbm>> -> memref<128x64xf32, #tpu.memory_space<hbm>>
      %dma_start3A_256 = arith.constant 0 : i32
      %dma_start3A_257 = tpu.memref_slice %arg5[%run_scoped3A_251, %add3A_250, %dma_start3A_256] : memref<2x16384x64xf32, #tpu.memory_space<hbm>> -> memref<1x128x64xf32, #tpu.memory_space<hbm>>
      %dma_start3A_258 = tpu.memref_squeeze %dma_start3A_257 : memref<1x128x64xf32, #tpu.memory_space<hbm>> -> memref<128x64xf32, #tpu.memory_space<hbm>>
      tpu.enqueue_dma source(%arg13 : memref<128x64xf32, #tpu.memory_space<vmem>>) target(%dma_start3A_258 : memref<128x64xf32, #tpu.memory_space<hbm>>) target_semaphore(%run_scoped3A_252 : memref<!tpu.dma_semaphore, #tpu.memory_space<semaphore_mem>>)
      %dma_wait3A_259 = arith.constant 0 : i32
      %dma_wait3A_260 = tpu.memref_slice %arg5[%run_scoped3A_251, %add3A_250, %dma_wait3A_259] : memref<2x16384x64xf32, #tpu.memory_space<hbm>> -> memref<1x128x64xf32, #tpu.memory_space<hbm>>
      %dma_wait3A_261 = tpu.memref_squeeze %dma_wait3A_260 : memref<1x128x64xf32, #tpu.memory_space<hbm>> -> memref<128x64xf32, #tpu.memory_space<hbm>>
      %dma_wait3A_262 = arith.constant 0 : i32
      %dma_wait3A_263 = tpu.memref_slice %arg5[%run_scoped3A_251, %add3A_250, %dma_wait3A_262] : memref<2x16384x64xf32, #tpu.memory_space<hbm>> -> memref<1x128x64xf32, #tpu.memory_space<hbm>>
      %dma_wait3A_264 = tpu.memref_squeeze %dma_wait3A_263 : memref<1x128x64xf32, #tpu.memory_space<hbm>> -> memref<128x64xf32, #tpu.memory_space<hbm>>
      tpu.wait_dma2 semaphore(%run_scoped3A_252 : memref<!tpu.dma_semaphore, #tpu.memory_space<semaphore_mem>>) src(%arg13 : memref<128x64xf32, #tpu.memory_space<vmem>>) dst(%dma_wait3A_264 : memref<128x64xf32, #tpu.memory_space<hbm>>)
      tpu.yield
    }) : () -> ()
    return
  }
}

module attributes {stable_mosaic.version = 14 : i64} {
  func.func @_tc_tail_body(%arg0: i32, %arg1: memref<2x4096xf32, #tpu.memory_space<vmem>>, %arg2: memref<64x4096xf32, #tpu.memory_space<vmem>>, %arg3: memref<64x4096xf32, #tpu.memory_space<vmem>>, %arg4: memref<2x64xf32, #tpu.memory_space<vmem>>, %arg5: memref<2x64xf32, #tpu.memory_space<vmem>>) attributes {dimension_semantics = [#tpu.dimension_semantics<arbitrary>], iteration_bounds = array<i64: 25>, scalar_prefetch = 0 : i64, scratch_operands = 1 : i64, tpu.core_type = #tpu.core_type<tc>, window_params = [{transform_indices = @transform_0, window_bounds = array<i64: 2, 4096>}, {transform_indices = @transform_1, window_bounds = array<i64: 64, 4096>}, {pipeline_mode = #tpu.pipeline_mode<synchronous>, transform_indices = @transform_2, window_bounds = array<i64: 64, 4096>}, {pipeline_mode = #tpu.pipeline_mode<synchronous>, transform_indices = @transform_3, window_bounds = array<i64: 2, 64>}]} {
    %eq3A = arith.constant 0 : i32
    %eq3A_0 = arith.cmpi eq, %arg0, %eq3A : i32
    %convert_element_type3A = arith.extui %eq3A_0 : i1 to i32
    %cond3A = arith.constant 0 : i32
    %cond3A_1 = arith.cmpi ne, %convert_element_type3A, %cond3A : i32
    scf.if %cond3A_1 {
      %broadcast_in_dim3A = arith.constant 0.000000e+00 : f32
      %broadcast_in_dim3A_23 = vector.broadcast %broadcast_in_dim3A : f32 to vector<2x64xf32>
      %swap3A_24 = arith.constant 0 : index
      %swap3A_25 = arith.constant 0 : index
      %swap3A_26 = vector.load %arg5[%swap3A_24, %swap3A_25] : memref<2x64xf32, #tpu.memory_space<vmem>>, vector<2x64xf32>
      tpu.vector_store %arg5[%swap3A_24, %swap3A_25], %broadcast_in_dim3A_23 {strides = array<i32>} : memref<2x64xf32, #tpu.memory_space<vmem>>, vector<2x64xf32>,
    } else {
    }
    %eq3A_2 = arith.constant 24 : i32
    %eq3A_3 = arith.cmpi eq, %arg0, %eq3A_2 : i32
    %get3A = arith.constant 0 : index
    %get3A_4 = arith.constant 0 : index
    %get3A_5 = vector.load %arg3[%get3A, %get3A_4] : memref<64x4096xf32, #tpu.memory_space<vmem>>, vector<64x4096xf32>
    %get3A_6 = arith.constant 0 : index
    %get3A_7 = arith.constant 0 : index
    %get3A_8 = vector.load %arg2[%get3A_6, %get3A_7] : memref<64x4096xf32, #tpu.memory_space<vmem>>, vector<64x4096xf32>
    %select_n3A = arith.select %eq3A_3, %get3A_5, %get3A_8 : vector<64x4096xf32>
    %get3A_9 = arith.constant 0 : index
    %get3A_10 = arith.constant 0 : index
    %get3A_11 = vector.load %arg5[%get3A_9, %get3A_10] : memref<2x64xf32, #tpu.memory_space<vmem>>, vector<2x64xf32>
    %get3A_12 = arith.constant 0 : index
    %get3A_13 = arith.constant 0 : index
    %get3A_14 = vector.load %arg1[%get3A_12, %get3A_13] : memref<2x4096xf32, #tpu.memory_space<vmem>>, vector<2x4096xf32>
    %dot_general3A = arith.constant dense<0.000000e+00> : vector<2x64xf32>
    %dot_general3A_15 = tpu.matmul %get3A_14, %select_n3A, %dot_general3A {dimension_numbers = #tpu.dot_dimension_numbers<[1], [1], [0], [0], [0, 0, 1, 0], [], []>, precision = #tpu.contract_precision<fp32>, transpose_lhs_hint = false} : vector<2x4096xf32>, vector<64x4096xf32>, vector<2x64xf32> -> vector<2x64xf32>
    %add3A = arith.addf %get3A_11, %dot_general3A_15 : vector<2x64xf32>
    %swap3A = arith.constant 0 : index
    %swap3A_16 = arith.constant 0 : index
    %swap3A_17 = vector.load %arg5[%swap3A, %swap3A_16] : memref<2x64xf32, #tpu.memory_space<vmem>>, vector<2x64xf32>
    tpu.vector_store %arg5[%swap3A, %swap3A_16], %add3A {strides = array<i32>} : memref<2x64xf32, #tpu.memory_space<vmem>>, vector<2x64xf32>,
    %eq3A_18 = arith.constant 24 : i32
    %eq3A_19 = arith.cmpi eq, %arg0, %eq3A_18 : i32
    %convert_element_type3A_20 = arith.extui %eq3A_19 : i1 to i32
    %cond3A_21 = arith.constant 0 : i32
    %cond3A_22 = arith.cmpi ne, %convert_element_type3A_20, %cond3A_21 : i32
    scf.if %cond3A_22 {
      %get3A_23 = arith.constant 0 : index
      %get3A_24 = arith.constant 0 : index
      %get3A_25 = vector.load %arg5[%get3A_23, %get3A_24] : memref<2x64xf32, #tpu.memory_space<vmem>>, vector<2x64xf32>
      %swap3A_26 = arith.constant 0 : index
      %swap3A_27 = arith.constant 0 : index
      %swap3A_28 = vector.load %arg4[%swap3A_26, %swap3A_27] : memref<2x64xf32, #tpu.memory_space<vmem>>, vector<2x64xf32>
      tpu.vector_store %arg4[%swap3A_26, %swap3A_27], %get3A_25 {strides = array<i32>} : memref<2x64xf32, #tpu.memory_space<vmem>>, vector<2x64xf32>,
    } else {
    }
    return
  }
  func.func @transform_0(%arg0: i32) -> (i32, i32) {
    %c0_i32 = arith.constant 0 : i32
    %c0_i32_0 = arith.constant 0 : i32
    return %c0_i32, %arg0 : i32, i32
  }
  func.func @transform_1(%arg0: i32) -> (i32, i32) {
    %min3A = arith.constant 23 : i32
    %min3A_0 = arith.minsi %arg0, %min3A : i32
    %c0_i32 = arith.constant 0 : i32
    %c0_i32_1 = arith.constant 0 : i32
    return %c0_i32, %min3A_0 : i32, i32
  }
  func.func @transform_2(%arg0: i32) -> (i32, i32) {
    %c0_i32 = arith.constant 0 : i32
    %c0_i32_0 = arith.constant 0 : i32
    %c0_i32_1 = arith.constant 0 : i32
    return %c0_i32, %c0_i32_0 : i32, i32
  }
  func.func @transform_3(%arg0: i32) -> (i32, i32) {
    %c0_i32 = arith.constant 0 : i32
    %c0_i32_0 = arith.constant 0 : i32
    %c0_i32_1 = arith.constant 0 : i32
    return %c0_i32, %c0_i32_0 : i32, i32
  }
}

module attributes {stable_mosaic.version = 14 : i64} {
  func.func @_tc_mlp_body(%arg0: i32, %arg1: memref<1x1024x64xf32, #tpu.memory_space<vmem>>, %arg2: memref<1x1024x64xf32, #tpu.memory_space<vmem>>, %arg3: memref<2x64xf32, #tpu.memory_space<vmem>>, %arg4: memref<128x128xf32, #tpu.memory_space<vmem>>, %arg5: memref<1x128xf32, #tpu.memory_space<vmem>>, %arg6: memref<8x128xf32, #tpu.memory_space<vmem>>, %arg7: memref<1x1xf32, #tpu.memory_space<smem>>, %arg8: memref<1024x1xf32, #tpu.memory_space<vmem>>, %arg9: memref<2x64xf32, #tpu.memory_space<vmem>>) attributes {dimension_semantics = [#tpu.dimension_semantics<arbitrary>], iteration_bounds = array<i64: 16>, scalar_prefetch = 0 : i64, scratch_operands = 1 : i64, tpu.core_type = #tpu.core_type<tc>, window_params = [{transform_indices = @transform_0, window_bounds = array<i64: 1, 1024, 64>}, {transform_indices = @transform_1, window_bounds = array<i64: 1, 1024, 64>}, {pipeline_mode = #tpu.pipeline_mode<synchronous>, transform_indices = @transform_2, window_bounds = array<i64: 2, 64>}, {pipeline_mode = #tpu.pipeline_mode<synchronous>, transform_indices = @transform_3, window_bounds = array<i64: 128, 128>}, {pipeline_mode = #tpu.pipeline_mode<synchronous>, transform_indices = @transform_4, window_bounds = array<i64: 1, 128>}, {pipeline_mode = #tpu.pipeline_mode<synchronous>, transform_indices = @transform_5, window_bounds = array<i64: 8, 128>}, {transform_indices = @transform_6, window_bounds = array<i64: 1, 1>}, {transform_indices = @transform_7, window_bounds = array<i64: 1024, 1>}]} {
    %eq3A = arith.constant 0 : i32
    %eq3A_0 = arith.cmpi eq, %arg0, %eq3A : i32
    %convert_element_type3A = arith.extui %eq3A_0 : i1 to i32
    %cond3A = arith.constant 0 : i32
    %cond3A_1 = arith.cmpi ne, %convert_element_type3A, %cond3A : i32
    scf.if %cond3A_1 {
      %broadcast_in_dim3A_73 = arith.constant 0.000000e+00 : f32
      %broadcast_in_dim3A_74 = vector.broadcast %broadcast_in_dim3A_73 : f32 to vector<2x64xf32>
      %swap3A_75 = arith.constant 0 : index
      %swap3A_76 = arith.constant 0 : index
      %swap3A_77 = vector.load %arg9[%swap3A_75, %swap3A_76] : memref<2x64xf32, #tpu.memory_space<vmem>>, vector<2x64xf32>
      tpu.vector_store %arg9[%swap3A_75, %swap3A_76], %broadcast_in_dim3A_74 {strides = array<i32>} : memref<2x64xf32, #tpu.memory_space<vmem>>, vector<2x64xf32>,
    } else {
    }
    %get3A = arith.constant 0 : index
    %get3A_2 = arith.constant 0 : index
    %get3A_3 = arith.constant 0 : index
    %get3A_4 = vector.load %arg1[%get3A, %get3A_2, %get3A_3] : memref<1x1024x64xf32, #tpu.memory_space<vmem>>, vector<1x1024x64xf32>
    %get3A_5 = vector.shape_cast %get3A_4 : vector<1x1024x64xf32> to vector<1024x64xf32>
    %get3A_6 = arith.constant 0 : index
    %get3A_7 = arith.constant 0 : index
    %get3A_8 = arith.constant 0 : index
    %get3A_9 = vector.load %arg2[%get3A_6, %get3A_7, %get3A_8] : memref<1x1024x64xf32, #tpu.memory_space<vmem>>, vector<1x1024x64xf32>
    %get3A_10 = vector.shape_cast %get3A_9 : vector<1x1024x64xf32> to vector<1024x64xf32>
    %get3A_11 = arith.constant 0 : index
    %get3A_12 = arith.constant 0 : index
    %get3A_13 = vector.load %arg9[%get3A_11, %get3A_12] : memref<2x64xf32, #tpu.memory_space<vmem>>, vector<1x64xf32>
    %reduce_sum3A = arith.constant dense<0.000000e+00> : vector<64xf32>
    %reduce_sum3A_14 = vector.multi_reduction <add>, %get3A_5, %reduce_sum3A [0] : vector<1024x64xf32> to vector<64xf32>
    %broadcast_in_dim3A = vector.shape_cast %reduce_sum3A_14 : vector<64xf32> to vector<1x64xf32>
    %add3A = arith.addf %get3A_13, %broadcast_in_dim3A : vector<1x64xf32>
    %get3A_15 = arith.constant 1 : index
    %get3A_16 = arith.constant 0 : index
    %get3A_17 = vector.load %arg9[%get3A_15, %get3A_16] : memref<2x64xf32, #tpu.memory_space<vmem>>, vector<1x64xf32>
    %reduce_sum3A_18 = arith.constant dense<0.000000e+00> : vector<64xf32>
    %reduce_sum3A_19 = vector.multi_reduction <add>, %get3A_10, %reduce_sum3A_18 [0] : vector<1024x64xf32> to vector<64xf32>
    %broadcast_in_dim3A_20 = vector.shape_cast %reduce_sum3A_19 : vector<64xf32> to vector<1x64xf32>
    %add3A_21 = arith.addf %get3A_17, %broadcast_in_dim3A_20 : vector<1x64xf32>
    %swap3A = arith.constant 0 : index
    %swap3A_22 = arith.constant 0 : index
    %swap3A_23 = vector.load %arg9[%swap3A, %swap3A_22] : memref<2x64xf32, #tpu.memory_space<vmem>>, vector<1x64xf32>
    tpu.vector_store %arg9[%swap3A, %swap3A_22], %add3A {strides = array<i32>} : memref<2x64xf32, #tpu.memory_space<vmem>>, vector<1x64xf32>,
    %swap3A_24 = arith.constant 1 : index
    %swap3A_25 = arith.constant 0 : index
    %swap3A_26 = vector.load %arg9[%swap3A_24, %swap3A_25] : memref<2x64xf32, #tpu.memory_space<vmem>>, vector<1x64xf32>
    tpu.vector_store %arg9[%swap3A_24, %swap3A_25], %add3A_21 {strides = array<i32>} : memref<2x64xf32, #tpu.memory_space<vmem>>, vector<1x64xf32>,
    %concatenate3A = tpu.concatenate %get3A_5, %get3A_10 in 1 : vector<1024x64xf32>, vector<1024x64xf32> -> vector<1024x128xf32>
    %eq3A_27 = arith.constant 15 : i32
    %eq3A_28 = arith.cmpi eq, %arg0, %eq3A_27 : i32
    %get3A_29 = arith.constant 0 : index
    %get3A_30 = arith.constant 0 : index
    %get3A_31 = vector.load %arg3[%get3A_29, %get3A_30] : memref<2x64xf32, #tpu.memory_space<vmem>>, vector<1x64xf32>
    %slice3A = vector.extract_strided_slice %get3A_5 {offsets = [1023, 0], sizes = [1, 64], strides = [1, 1]} : vector<1024x64xf32> to vector<1x64xf32>
    %sub3A = arith.subf %add3A, %slice3A : vector<1x64xf32>
    %sub3A_32 = arith.subf %get3A_31, %sub3A : vector<1x64xf32>
    %get3A_33 = arith.constant 1 : index
    %get3A_34 = arith.constant 0 : index
    %get3A_35 = vector.load %arg3[%get3A_33, %get3A_34] : memref<2x64xf32, #tpu.memory_space<vmem>>, vector<1x64xf32>
    %slice3A_36 = vector.extract_strided_slice %get3A_10 {offsets = [1023, 0], sizes = [1, 64], strides = [1, 1]} : vector<1024x64xf32> to vector<1x64xf32>
    %sub3A_37 = arith.subf %add3A_21, %slice3A_36 : vector<1x64xf32>
    %sub3A_38 = arith.subf %get3A_35, %sub3A_37 : vector<1x64xf32>
    %concatenate3A_39 = tpu.concatenate %sub3A_32, %sub3A_38 in 1 : vector<1x64xf32>, vector<1x64xf32> -> vector<1x128xf32>
    %iota3A = tpu.iota {dimensions = array<i32: 0>} : vector<1024x1xi32>
    %eq3A_40 = arith.constant 1023 : i32
    %eq3A_41 = vector.broadcast %eq3A_40 : i32 to vector<1024x1xi32>
    %eq3A_42 = arith.cmpi eq, %iota3A, %eq3A_41 : vector<1024x1xi32>
    %and3A = vector.broadcast %eq3A_28 : i1 to vector<1024x1xi1>
    %and3A_43 = arith.andi %eq3A_42, %and3A : vector<1024x1xi1>
    %broadcast_in_dim3A_44 = vector.shape_cast %and3A_43 : vector<1024x1xi1> to vector<1024x1xi1>
    %broadcast_in_dim3A_45 = vector.broadcast %broadcast_in_dim3A_44 : vector<1024x1xi1> to vector<1024x128xi1>
    %broadcast_in_dim3A_46 = vector.shape_cast %concatenate3A_39 : vector<1x128xf32> to vector<1x128xf32>
    %broadcast_in_dim3A_47 = vector.broadcast %broadcast_in_dim3A_46 : vector<1x128xf32> to vector<1024x128xf32>
    %select_n3A = arith.select %broadcast_in_dim3A_45, %broadcast_in_dim3A_47, %concatenate3A : vector<1024x128xi1>, vector<1024x128xf32>
    %get3A_48 = arith.constant 0 : index
    %get3A_49 = arith.constant 0 : index
    %get3A_50 = vector.load %arg4[%get3A_48, %get3A_49] : memref<128x128xf32, #tpu.memory_space<vmem>>, vector<128x128xf32>
    %dot_general3A = arith.constant dense<0.000000e+00> : vector<1024x128xf32>
    %dot_general3A_51 = tpu.matmul %select_n3A, %get3A_50, %dot_general3A {dimension_numbers = #tpu.dot_dimension_numbers<[1], [1], [0], [0], [0, 0, 1, 0], [], []>, transpose_lhs_hint = false} : vector<1024x128xf32>, vector<128x128xf32>, vector<1024x128xf32> -> vector<1024x128xf32>
    %get3A_52 = arith.constant 0 : index
    %get3A_53 = arith.constant 0 : index
    %get3A_54 = vector.load %arg5[%get3A_52, %get3A_53] : memref<1x128xf32, #tpu.memory_space<vmem>>, vector<1x128xf32>
    %add3A_55 = vector.broadcast %get3A_54 : vector<1x128xf32> to vector<1024x128xf32>
    %add3A_56 = arith.addf %dot_general3A_51, %add3A_55 : vector<1024x128xf32>
    %max3A = arith.constant 0.000000e+00 : f32
    %max3A_57 = vector.broadcast %max3A : f32 to vector<1024x128xf32>
    %max3A_58 = arith.maximumf %add3A_56, %max3A_57 : vector<1024x128xf32>
    %get3A_59 = arith.constant 0 : index
    %get3A_60 = arith.constant 0 : index
    %get3A_61 = vector.load %arg6[%get3A_59, %get3A_60] : memref<8x128xf32, #tpu.memory_space<vmem>>, vector<8x128xf32>
    %dot_general3A_62 = arith.constant dense<0.000000e+00> : vector<1024x8xf32>
    %dot_general3A_63 = tpu.matmul %max3A_58, %get3A_61, %dot_general3A_62 {dimension_numbers = #tpu.dot_dimension_numbers<[1], [1], [0], [0], [0, 0, 1, 0], [], []>, transpose_lhs_hint = false} : vector<1024x128xf32>, vector<8x128xf32>, vector<1024x8xf32> -> vector<1024x8xf32>
    %slice3A_64 = vector.extract_strided_slice %dot_general3A_63 {offsets = [0, 0], sizes = [1024, 1], strides = [1, 1]} : vector<1024x8xf32> to vector<1024x1xf32>
    %get3A_65 = arith.constant 0 : index
    %get3A_66 = arith.constant 0 : index
    %get3A_67 = memref.load %arg7[%get3A_65, %get3A_66] : memref<1x1xf32, #tpu.memory_space<smem>>
    %add3A_68 = vector.broadcast %get3A_67 : f32 to vector<1024x1xf32>
    %add3A_69 = arith.addf %slice3A_64, %add3A_68 : vector<1024x1xf32>
    %swap3A_70 = arith.constant 0 : index
    %swap3A_71 = arith.constant 0 : index
    %swap3A_72 = vector.load %arg8[%swap3A_70, %swap3A_71] : memref<1024x1xf32, #tpu.memory_space<vmem>>, vector<1024x1xf32>
    tpu.vector_store %arg8[%swap3A_70, %swap3A_71], %add3A_69 {strides = array<i32>} : memref<1024x1xf32, #tpu.memory_space<vmem>>, vector<1024x1xf32>,
    return
  }
  func.func @transform_0(%arg0: i32) -> (i32, i32, i32) {
    %c0_i32 = arith.constant 0 : i32
    %c0_i32_0 = arith.constant 0 : i32
    %c0_i32_1 = arith.constant 0 : i32
    return %c0_i32, %arg0, %c0_i32_0 : i32, i32, i32
  }
  func.func @transform_1(%arg0: i32) -> (i32, i32, i32) {
    %c1_i32 = arith.constant 1 : i32
    %c0_i32 = arith.constant 0 : i32
    %c0_i32_0 = arith.constant 0 : i32
    return %c1_i32, %arg0, %c0_i32 : i32, i32, i32
  }
  func.func @transform_2(%arg0: i32) -> (i32, i32) {
    %c0_i32 = arith.constant 0 : i32
    %c0_i32_0 = arith.constant 0 : i32
    %c0_i32_1 = arith.constant 0 : i32
    return %c0_i32, %c0_i32_0 : i32, i32
  }
  func.func @transform_3(%arg0: i32) -> (i32, i32) {
    %c0_i32 = arith.constant 0 : i32
    %c0_i32_0 = arith.constant 0 : i32
    %c0_i32_1 = arith.constant 0 : i32
    return %c0_i32, %c0_i32_0 : i32, i32
  }
  func.func @transform_4(%arg0: i32) -> (i32, i32) {
    %c0_i32 = arith.constant 0 : i32
    %c0_i32_0 = arith.constant 0 : i32
    %c0_i32_1 = arith.constant 0 : i32
    return %c0_i32, %c0_i32_0 : i32, i32
  }
  func.func @transform_5(%arg0: i32) -> (i32, i32) {
    %c0_i32 = arith.constant 0 : i32
    %c0_i32_0 = arith.constant 0 : i32
    %c0_i32_1 = arith.constant 0 : i32
    return %c0_i32, %c0_i32_0 : i32, i32
  }
  func.func @transform_6(%arg0: i32) -> (i32, i32) {
    %c0_i32 = arith.constant 0 : i32
    %c0_i32_0 = arith.constant 0 : i32
    %c0_i32_1 = arith.constant 0 : i32
    return %c0_i32, %c0_i32_0 : i32, i32
  }
  func.func @transform_7(%arg0: i32) -> (i32, i32) {
    %c0_i32 = arith.constant 0 : i32
    %c0_i32_0 = arith.constant 0 : i32
    return %arg0, %c0_i32 : i32, i32
  }
}

</mosaic_0001>

<sc_bundles>
// kernel: kernel.5.cloned.1.call-start
scs
__scs_entry_jumppad:
0x0: {  	(pc) =	sbr.rel $0x88, $3  }
0x1: {  	(tag) =	ssettag $0x0;
	lr =	simm.s32 $0x1  }
0x2: {  	[smem:$0x3F9A] =	sst lr;
	_ =	strace $0xD0000000  }
0x3: {  	_ = 	snop  }
0x4: {  	_ = 	snop  }
0x5: {  	_ = 	snop  }
0x6: {  	_ = 	snop  }
0x7: {  	_ = 	snop  }
__scs_overlays_trampoline_lowered:
0x8: {  	[smem:$0x3FA9] =	sst s0  }
0x9: {  	[smem:$0x3FAA] =	sst s1  }
0xa: {  	[smem:$0x3FAB] =	sst s2  }
0xb: {  	[smem:$0x3FAC] =	sst s3  }
0xc: {  	[smem:$0x3FAD] =	sst s4  }
0xd: {  	[smem:$0x3FAE] =	sst s5  }
0xe: {  	[smem:$0x3FAF] =	sst s6  }
0xf: {  	[smem:$0x3FB0] =	sst s7  }
0x10: {  	[smem:$0x3FB1] =	sst s8  }
0x11: {  	[smem:$0x3FB2] =	sst s9;
	s0 =	simm.s32 @!p0 $0x0  }
0x12: {  	s1 =	sld [smem:$0x3F98];
	s0 =	simm.s32 @p0 $0x1  }
0x13: {  	[smem:$0x3FB3] =	sst s0;
	s0 =	simm.s32 @!p1 $0x0  }
0x14: {  	s2 =	sld [smem:$0x3F97];
	s0 =	simm.s32 @p1 $0x1  }
0x15: {  	[smem:$0x3FB4] =	sst s0;
	s0 =	simm.s32 @!p2 $0x0  }
0x16: {  	s3 =	sld [smem:$0x3FDB];
	s0 =	simm.s32 @p2 $0x1  }
0x17: {  	s4 =	simm.s32 $0x1BF5;
	[smem:$0x3FB6] =	sst s0  }
0x18: {  	s0 =	sld [smem:$0x3F99];
	_ =	swait.ge [sflag:s4], $0x0  }
0x19: {  	s7 =	sld [smem:$0x3F9A]  }
0x1a: {  	s8 =	sadd.s32 $0xFFFFE003, lr  }
0x1b: {  	s9 =	sadd.s32 $0xFFFFFEF7, lr;
	s5 =	simm.s32 $0xFFFFFFFF;
	p2 =	slt.u32 s8, $0xFFFFF086  }
0x1c: {  	p1 =	slt.u32 s9, $0xF7A;
	s5 =	simm.s32 @!p2 $0x0  }
0x1d: {  	s5 =	simm.s32 @p1 $0x1;
	p0 =	seq.s32 s7, s2  }
0x1e: {  	s7 =	smul.u32 @!p0 $0xF7A, s2;
	p2 =	seq.s32 @!p0 s5, $0x0  }
0x1f: {  	s9 =	smul.u32 $0xF7A, s1;
	s8 =	simm.s32 @!p0 $0x1BF5;
	p2 =	por !p2, p0  }
0x20: {  	[sflag:s8] =	ssyncset.s32 @!p0 $0xFFFFF086;
	s6 =	sadd.s32 @!p0 s3, s7;
	s7 =	simm.s32 @!p0 $0x108  }
0x21: {  	s3 =	sadd.s32 s3, s9;
	s6 =	sadd.s32 @!p0 $0x88, s6;
	s7 =	simm.s32 @p2 $0x1082  }
0x22: {  	[simem:s7], [sflag:s8] =	dma.local @!p0 [hbm:s6], $0xF7A  }
0x23: {  	s9 =	sor.u32 $0xD0000000, s2;
	s6 =	simm.s32 $0x108;
	_ =	swait.ge @!p0 [sflag:s8], $0x0  }
0x24: {  	s3 =	sadd.s32 $0x88, s3;
	s6 =	simm.s32 @!p1 $0x1082;
	[sflag:s4] =	ssyncset.s32 $0xFFFFF086  }
0x25: {  	[simem:s6], [sflag:s4] =	dma.local [hbm:s3], $0xF7A  }
0x26: {  	[smem:$0x3F9A] =	sst s1;
	(tag) =	ssettag s2;
	_ =	strace s9  }
0x27: {  	s1 =	sld [smem:$0x3FAA]  }
0x28: {  	s2 =	sld [smem:$0x3FAB]  }
0x29: {  	s4 =	sld [smem:$0x3FAD]  }
0x2a: {  	p0 =	seq.s32 s5, $0x0;
	s5 =	sld [smem:$0x3FAE]  }
0x2b: {  	s6 =	sld [smem:$0x3FAF]  }
0x2c: {  	s7 =	sld [smem:$0x3FB0]  }
0x2d: {  	s3 =	simm.s32 $0x108;
	s8 =	sld [smem:$0x3FB1]  }
0x2e: {  	s3 =	simm.s32 @!p0 $0x1082;
	s9 =	sld [smem:$0x3FB2]  }
0x2f: {  	lr =	sadd.s32 s0, s3;
	s0 =	sld [smem:$0x3FA9]  }
0x30: {  	s3 =	sld [smem:$0x3FAC]  }
0x31: {  	[smem:$0x3FB5] =	sst s10  }
0x32: {  	s10 =	sld [smem:$0x3FB3];
	_ =	sdelay $0x3  }
0x33: {  	p0 =	seq.s32 s10, $0x1;
	s10 =	sld [smem:$0x3FB5];
	_ =	sdelay $0x3  }
0x34: {  	[smem:$0x3FB5] =	sst s10  }
0x35: {  	s10 =	sld [smem:$0x3FB4];
	_ =	sdelay $0x3  }
0x36: {  	p1 =	seq.s32 s10, $0x1;
	s10 =	sld [smem:$0x3FB5];
	_ =	sdelay $0x3  }
0x37: {  	[smem:$0x3FB5] =	sst s10  }
0x38: {  	s10 =	sld [smem:$0x3FB6]  }
0x39: {  	_ = 	snop;
	(pc) =	sbr.ind lr, $3  }
0x3a: {  	_ = 	snop  }
0x3b: {  	_ = 	snop  }
0x3c: {  	p2 =	seq.s32 s10, $0x1;
	s10 =	sld [smem:$0x3FB5]  }
0x3d: {  	_ =	shalt  }
0x3e: {  	_ =	shalt  }
0x3f: {  	_ =	shalt  }
0x40: {  	_ =	shalt  }
0x41: {  	_ =	shalt  }
0x42: {  	_ =	shalt  }
0x43: {  	_ =	shalt  }
0x44: {  	_ =	shalt  }
0x45: {  	_ =	shalt  }
0x46: {  	_ =	shalt  }
0x47: {  	_ =	shalt  }
0x48: {  	_ =	shalt  }
0x49: {  	_ =	shalt  }
0x4a: {  	_ =	shalt  }
0x4b: {  	_ =	shalt  }
0x4c: {  	_ =	shalt  }
0x4d: {  	_ =	shalt  }
0x4e: {  	_ =	shalt  }
0x4f: {  	_ =	shalt  }
0x50: {  	_ =	shalt  }
0x51: {  	_ =	shalt  }
0x52: {  	_ =	shalt  }
0x53: {  	_ =	shalt  }
0x54: {  	_ =	shalt  }
0x55: {  	_ =	shalt  }
0x56: {  	_ =	shalt  }
0x57: {  	_ =	shalt  }
0x58: {  	_ =	shalt  }
0x59: {  	_ =	shalt  }
0x5a: {  	_ =	shalt  }
0x5b: {  	_ =	shalt  }
0x5c: {  	_ =	shalt  }
0x5d: {  	_ =	shalt  }
0x5e: {  	_ =	shalt  }
0x5f: {  	_ =	shalt  }
0x60: {  	_ =	shalt  }
0x61: {  	_ =	shalt  }
0x62: {  	_ =	shalt  }
0x63: {  	_ =	shalt  }
0x64: {  	_ =	shalt  }
0x65: {  	_ =	shalt  }
0x66: {  	_ =	shalt  }
0x67: {  	_ =	shalt  }
0x68: {  	_ =	shalt  }
0x69: {  	_ =	shalt  }
0x6a: {  	_ =	shalt  }
0x6b: {  	_ =	shalt  }
0x6c: {  	_ =	shalt  }
0x6d: {  	_ =	shalt  }
0x6e: {  	_ =	shalt  }
0x6f: {  	_ =	shalt  }
0x70: {  	_ =	shalt  }
0x71: {  	_ =	shalt  }
0x72: {  	_ =	shalt  }
0x73: {  	_ =	shalt  }
0x74: {  	_ =	shalt  }
0x75: {  	_ =	shalt  }
0x76: {  	_ =	shalt  }
0x77: {  	_ =	shalt  }
0x78: {  	_ =	shalt  }
0x79: {  	_ =	shalt  }
0x7a: {  	_ =	shalt  }
0x7b: {  	_ =	shalt  }
0x7c: {  	_ =	shalt  }
0x7d: {  	_ =	shalt  }
0x7e: {  	_ =	shalt  }
0x7f: {  	_ =	shalt  }
0x80: {  	_ =	shalt  }
0x81: {  	_ =	shalt  }
0x82: {  	_ =	shalt  }
0x83: {  	_ =	shalt  }
0x84: {  	_ =	shalt  }
0x85: {  	_ =	shalt  }
0x86: {  	_ =	shalt  }
0x87: {  	_ =	shalt  }
.Lfunc_end0:
.L_simem_size_0:
called_computation_lowered:
.L_overlay_start_0:
0x88: {  	s2 =	sld [smem:$0x3FD9]  }
0x89: {  	s3 =	sld [smem:$0x3FFE];
	_ =	sdelay $0x1  }
0x8a: {  	s1 =	srdreg.scid  }
0x8b: {  	s0 =	sand.u32 $0x1, s1  }
0x8c: {  	s17 =	sshll.u32 s0, $0xA;
	s2 =	sadd.s32 s3, s2  }
0x8d: {  	s2 =	sadd.s32 s2, s17  }
0x8e: {  	[smem:$0x3FC1] =	sst s2  }
0x8f: {  	_ = 	snop  }
0x90: {  	s2 =	sld [smem:$0x3FC9]  }
0x91: {  	s18 =	sld [smem:$0x3FC8];
	(tm) =	ssettm $0x1  }
0x92: {  	s4 =	sld [smem:$0x3FFB];
	_ =	sdelay $0x3  }
0x93: {  	_ =	strace s4  }
0x94: {  	s4 =	sld [smem:$0x3FFC];
	_ =	sdelay $0x3  }
0x95: {  	_ =	strace s4  }
0x96: {  	s4 =	sld [smem:$0x3FFD];
	_ =	sdelay $0x3  }
0x97: {  	_ =	strace s4  }
0x98: {  	_ =	strace $0x8FFFFFFF  }
0x99: {  	s19 =	sld [smem:$0x3FDB];
	_ =	sdelay $0x1  }
0x9a: {  	s5 =	simm.s32 $_scs_section_size  }
0x9b: {  	s6 =	simm.s32 $_size__tile_overlayer_lowered;
	s7 =	simm.s32 $_tile_overlayer_lowered  }
0x9c: {  	s22 =	simm.s32 $0x1BFF;
	s21 =	sshll.u32 s7, $0x1;
	s4 =	sadd.s32 s5, s19  }
0x9d: {  	s8 =	simm.s32 $0x0;
	s20 =	sshll.u32 s6, $0x1;
	s6 =	sadd.s32 s21, s4  }
0x9e: {  	[timem:s8], [sflag:s22] =	dma.local [hbm:s6], s20  }
0x9f: {  	_ =	swait.ge [sflag:s22], s20  }
0xa0: {  	s5 =	ssub.s32 $0x0, s20;
	[sflag:s22] =	ssyncset.done $0x0  }
0xa1: {  	[sflag:s22] =	ssyncadd.s32 s5;
	_ =	sdelay $0x1  }
0xa2: {  	s23 =	simm.s32 $0x1B8B  }
0xa3: {  	_ =	swait.ge [sflag:s23], $0x1  }
0xa4: {  	[sflag:s23] =	ssyncset.done $0x0  }
0xa5: {  	s25 =	simm.s32 $0x1B8E;
	s24 =	sld [smem:$0x3FFE];
	[sflag:s23] =	ssyncadd.s32 $0xFFFFFFFF  }
0xa6: {  	s26 =	simm.s32 $execute0_lowered;
	[smem:$0x3FD2] =	sst s25  }
0xa7: {  	s6 =	sshll.u32 s26, $0x1;
	_ =	strace $0x80000046;
	[dreg:$0x1] =	wrdreg $0xFFFFFFFF  }
0xa8: {  	s28 =	simm.s32 $_size_execute0_lowered;
	s4 =	sadd.s32 s4, s6;
	[dreg:$0x0] =	wrdreg $0x0  }
0xa9: {  	s6 =	sshll.u32 s28, $0x1;
	[dreg:$0x2] =	wrdreg s4  }
0xaa: {  	[dreg:$0x3] =	wrdreg s6  }
0xab: {  	[dreg:$0x4] =	wrdreg $0xC0  }
0xac: {  	_ =	task [dreg:s8], $0x5FFFF  }
0xad: {  	[dreg:$0x1] =	wrdreg $0xFFFFFFFF  }
0xae: {  	[dreg:$0x0] =	wrdreg $0x60  }
0xaf: {  	[dreg:$0x2] =	wrdreg s2  }
0xb0: {  	[dreg:$0x3] =	wrdreg s18  }
0xb1: {  	[dreg:$0x4] =	wrdreg s24  }
0xb2: {  	[dreg:$0x5] =	wrdreg $0x0  }
0xb3: {  	[dreg:$0x6] =	wrdreg $0x9  }
0xb4: {  	_ =	task.clear_ibuf [dreg:s8], $0x7FFFF;
	_ =	strace $0x90000046  }
0xb5: {  	s29 =	simm.s32 $0x9;
	_ =	strace $0x80000048  }
0xb6: {  	_ =	swait.ge [sflag:s29], $0x1  }
0xb7: {  	[sflag:s29] =	ssyncadd.s32 $0xFFFFFFFF  }
0xb8: {  	_ =	strace $0x90000048  }
0xb9: {  	_ =	sfence  }
0xba: {  	s30 =	sld [smem:$0x0];
	_ =	sdelay $0x2  }
0xbb: {  	s31 =	sshll.u32 s1, $0xD;
	s1 =	sshrl.u32 s1, $0x2  }
0xbc: {  	s3 =	sand.u32 $0x4000, s31;
	s1 =	sadd.s32 s1, s30  }
0xbd: {  	s0 =	sor.u32 s3, s0;
	s1 =	sshll.u32 s1, $0x11  }
0xbe: {  	s0 =	sor.u32 s1, s0  }
0xbf: {  	s0 =	sadd.s32 $0x8F2B, s0  }
0xc0: {  	[sflag:s0] =	ssyncadd.remote.s32 $0x1  }
0xc1: {  	_ =	sfence.sel $0xFFFF  }
0xc2: {  	[dreg:$0x0] =	wrdreg $0xFFFFFFFF;
	(pc) =	sbr.abs _section_cstart, $3  }
0xc3: {  	[dreg:$0x1] =	wrdreg $0xFFFFFFFF  }
0xc4: {  	_ =	task.clear_ibuf [dreg:s8], $0x2FFFF;
	_ =	strace $0x9FFFFFFF  }
0xc5: {  	(tm) =	ssettm $0x7FFFFFFF  }
tec
execute0_lowered:
.L_overlay_start_1:
0x0: {  	(tag) =	ssettag $0x1  }
0x1: {  	s0 =	rddreg [dreg:$0x0]  }
0x2: {  	s1 =	rddreg [dreg:$0x1]  }
0x3: {  	s4 =	rddreg [dreg:$0x2];
	s3 =	srdreg.scid  }
0x4: {  	s18 =	stileid.u32;
	s2 =	rddreg [dreg:$0x3];
	s5 =	sand.u32 $0x1, s3  }
0x5: {  	s6 =	smul.u32 $0x1900, s18;
	s3 =	simm.s32 $0x0;
	s8 =	sadd.s32 $0x7200, s4  }
0x6: {  	s12 =	sshll.u32 s18, $0x9;
	s17 =	sadd.s32 $0x27200, s4;
	s7 =	smul.u32 $0x19000, s5  }
0x7: {  	[smem:$0x7FF] =	sst s3;
	s9 =	ssub.s32 $0x2, s5;
	s11 =	sshll.u32 s5, $0xD  }
0x8: {  	p0 =	seq.s32 s5, $0x0;
	s10 =	sshrl.u32 s9, $0x1;
	s20 =	sor.u32 s12, s11  }
0x9: {  	s7 =	sadd.s32 s6, s7;
	s9 =	ssub.s32 s9, s10;
	s5 =	sshrl.u32 s20, $0x3  }
0xa: {  	s11 =	sor.u32 $0x80, s20;
	s13 =	sshll.u32 s20, $0x3;
	s21 =	sadd.s32 s0, s5  }
0xb: {  	s23 =	sor.u32 $0x100, s20;
	s22 =	sadd.s32 s8, s13;
	[dreg:$0x5] =	wrdreg s21  }
0xc: {  	s10 =	sor.u32 $0x180, s20;
	s26 =	sadd.s32 s13, s17;
	[dreg:$0x7] =	wrdreg s22  }
0xd: {  	s12 =	sshrl.u32 s11, $0x3;
	s5 =	sadd.s32 s1, s5;
	[dreg:$0xc] =	wrdreg s26  }
0xe: {  	s15 =	sshrl.u32 s23, $0x3;
	s14 =	sadd.s32 s0, s12;
	[dreg:$0x11] =	wrdreg s5  }
0xf: {  	s11 =	sshll.u32 s11, $0x3;
	s16 =	sadd.s32 s0, s15;
	[dreg:$0x6] =	wrdreg s14  }
0x10: {  	s25 =	sshrl.u32 s10, $0x3;
	s24 =	sadd.s32 s8, s11;
	[dreg:$0x8] =	wrdreg s16  }
0x11: {  	s10 =	sshll.u32 s10, $0x3;
	s13 =	sadd.s32 s11, s17;
	[dreg:$0x9] =	wrdreg s24  }
0x12: {  	s7 =	sshrl.u32 s7, $0x3;
	s20 =	sadd.s32 s10, s17;
	[dreg:$0xd] =	wrdreg s13  }
0x13: {  	s21 =	sadd.s32 s0, s25;
	s22 =	sadd.s32 s1, s12;
	[dreg:$0xf] =	wrdreg s20  }
0x14: {  	s5 =	simm.s32 $0x3;
	s11 =	simm.s32 $0x5F80;
	[dreg:$0x10] =	wrdreg s21  }
0x15: {  	s12 =	simm.s32 $0x1;
	s14 =	sshll.u32 s23, $0x3;
	[dreg:$0x12] =	wrdreg s22  }
0x16: {  	s23 =	sadd.s32 s1, s15;
	s24 =	smul.u32 $0xC800, s18;
	s20 =	sadd.s32 $0x187A00, s4  }
0x17: {  	s21 =	sadd.s32 s6, s2;
	s6 =	simm.s32 $0x4B00;
	s13 =	simm.s32 $0x7F80  }
0x18: {  	s15 =	simm.s32 $0x0;
	s19 =	sadd.s32 s8, s14;
	[dreg:$0x13] =	wrdreg s23  }
0x19: {  	s8 =	sadd.s32 s8, s10;
	s23 =	smax.u32 s9, $0x1;
	[dreg:$0xa] =	wrdreg s19  }
0x1a: {  	s9 =	simm.s32 $0x5F00;
	s10 =	simm.s32 $0x80;
	[dreg:$0xb] =	wrdreg s8  }
0x1b: {  	s19 =	sadd.s32 s14, s17;
	s26 =	sshrl.u32 s24, $0x3;
	s8 =	simm.s32 $0x3200  }
0x1c: {  	s14 =	simm.s32 $0x2;
	[dreg:$0xe] =	wrdreg s19;
	s19 =	sadd.s32 s1, s25  }
0x1d: {  	s1 =	smov.u32 @p0 s0;
	s25 =	sadd.s32 s7, s4;
	s7 =	simm.s32 $0x1400  }
0x1e: {  	_ =	strace $0x80000047;
	s22 =	sadd.s32 $0xE00, s25;
	s24 =	sadd.s32 s1, s26  }
0x1f: {  	s25 =	sadd.s32 $0x280, s24;
	s26 =	sadd.s32 $0x500, s24;
	s28 =	sadd.s32 $0x780, s24  }
0x20: {  	s29 =	sadd.s32 $0xA00, s24;
	s30 =	sadd.s32 $0xC80, s24;
	s31 =	sadd.s32 $0xF00, s24  }
0x21: {  	v0 =	vimm.f32 $0.0e+00;
	v1 =	vimm.f32 $1.000000000e+00;
	s1 =	sadd.s32 $0x1180, s24;
	s0 =	sadd.s32 $0x1400, s24;
	s4 =	sadd.s32 $0x1680, s24  }
.LBB2_1:
0x22: {  	s16 =	simm.s32 $0x40;
	s17 =	simm.s32 $0x0  }
.LBB2_2:
0x23: {  	p0 =	sne.s32 s16, $0x63C0;
	[tilespmem:s17+$0x1900] =	vst v0;
	s18 =	smov.u32 s16;
	s16 =	sadd.s32 $0x40, s16  }
.Ltmp0:
0x24: {  	[tilespmem:s17+$0x3200] =	vst v1;
	(pc) =	sbr.rel @p0 .LBB2_2-.Ltmp0, $2  }
0x25: {  	_ =	sdelay $0x2  }
0x26: {  	s17 =	sshra.s32 s18, $0x2  }
0x27: {  	[tilespmem:s17+$0x1900] =	vst v0  }
0x28: {  	[tilespmem:s17+$0x3200] =	vst v1;
	s16 =	simm.s32 $0x1900  }
0x29: {  	[spmem:s21] =	stream.linear.scatter [tilespmem:s16], [sflag:$0x3], $0x1900, $0x38;
	[tilespmem:$0x9F80] =	vst v63  }
0x2a: {  	_ =	swait.ge [sflag:s5], $0x1900  }
0x2b: {  	[sflag:s5] =	ssyncset.done $0x0  }
0x2c: {  	[sflag:s5] =	ssyncadd.s32 $0xFFFFE700  }
0x2d: {  	[bflag:$0x0] =	sbarrier.arrive $0xFFFF  }
0x2e: {  	[tilespmem:s6], [sflag:$0x3] =	stream.linear.gather [hbm4b:s24+s3], $0x1400, $0x38;
	[tilespmem:$0x9F80] =	vst v63  }
0x2f: {  	_ =	swait.ge [sflag:s5], $0x1400  }
0x30: {  	[sflag:s5] =	ssyncset.done $0x0  }
0x31: {  	[sflag:s5] =	ssyncadd.s32 $0xFFFFEC00  }
0x32: {  	[spmem:s2] =	stream.indirect.scatter.add.f32 [tilespmem:s8], [sflag:$0x3], $0x1, s6, s7, $0xb8;
	[tilespmem:$0x9F80] =	vst v63  }
0x33: {  	_ =	swait.ge [sflag:s5], $0x1400  }
0x34: {  	[sflag:s5] =	ssyncset.done $0x0  }
0x35: {  	[sflag:s5] =	ssyncadd.s32 $0xFFFFEC00  }
0x36: {  	[tilespmem:s6], [sflag:$0x3] =	stream.linear.gather [hbm4b:s25+s3], $0x1400, $0x38;
	[tilespmem:$0x9F80] =	vst v63  }
0x37: {  	_ =	swait.ge [sflag:s5], $0x1400  }
0x38: {  	[sflag:s5] =	ssyncset.done $0x0  }
0x39: {  	[sflag:s5] =	ssyncadd.s32 $0xFFFFEC00  }
0x3a: {  	[spmem:s2] =	stream.indirect.scatter.add.f32 [tilespmem:s8], [sflag:$0x3], $0x1, s6, s7, $0xb8;
	[tilespmem:$0x9F80] =	vst v63  }
0x3b: {  	_ =	swait.ge [sflag:s5], $0x1400  }
0x3c: {  	[sflag:s5] =	ssyncset.done $0x0  }
0x3d: {  	[sflag:s5] =	ssyncadd.s32 $0xFFFFEC00  }
0x3e: {  	[tilespmem:s6], [sflag:$0x3] =	stream.linear.gather [hbm4b:s26+s3], $0x1400, $0x38;
	[tilespmem:$0x9F80] =	vst v63  }
0x3f: {  	_ =	swait.ge [sflag:s5], $0x1400  }
0x40: {  	[sflag:s5] =	ssyncset.done $0x0  }
0x41: {  	[sflag:s5] =	ssyncadd.s32 $0xFFFFEC00  }
0x42: {  	[spmem:s2] =	stream.indirect.scatter.add.f32 [tilespmem:s8], [sflag:$0x3], $0x1, s6, s7, $0xb8;
	[tilespmem:$0x9F80] =	vst v63  }
0x43: {  	_ =	swait.ge [sflag:s5], $0x1400  }
0x44: {  	[sflag:s5] =	ssyncset.done $0x0  }
0x45: {  	[sflag:s5] =	ssyncadd.s32 $0xFFFFEC00  }
0x46: {  	[tilespmem:s6], [sflag:$0x3] =	stream.linear.gather [hbm4b:s28+s3], $0x1400, $0x38;
	[tilespmem:$0x9F80] =	vst v63  }
0x47: {  	_ =	swait.ge [sflag:s5], $0x1400  }
0x48: {  	[sflag:s5] =	ssyncset.done $0x0  }
0x49: {  	[sflag:s5] =	ssyncadd.s32 $0xFFFFEC00  }
0x4a: {  	[spmem:s2] =	stream.indirect.scatter.add.f32 [tilespmem:s8], [sflag:$0x3], $0x1, s6, s7, $0xb8;
	[tilespmem:$0x9F80] =	vst v63  }
0x4b: {  	_ =	swait.ge [sflag:s5], $0x1400  }
0x4c: {  	[sflag:s5] =	ssyncset.done $0x0  }
0x4d: {  	[sflag:s5] =	ssyncadd.s32 $0xFFFFEC00  }
0x4e: {  	[tilespmem:s6], [sflag:$0x3] =	stream.linear.gather [hbm4b:s29+s3], $0x1400, $0x38;
	[tilespmem:$0x9F80] =	vst v63  }
0x4f: {  	_ =	swait.ge [sflag:s5], $0x1400  }
0x50: {  	[sflag:s5] =	ssyncset.done $0x0  }
0x51: {  	[sflag:s5] =	ssyncadd.s32 $0xFFFFEC00  }
0x52: {  	[spmem:s2] =	stream.indirect.scatter.add.f32 [tilespmem:s8], [sflag:$0x3], $0x1, s6, s7, $0xb8;
	[tilespmem:$0x9F80] =	vst v63  }
0x53: {  	_ =	swait.ge [sflag:s5], $0x1400  }
0x54: {  	[sflag:s5] =	ssyncset.done $0x0  }
0x55: {  	[sflag:s5] =	ssyncadd.s32 $0xFFFFEC00  }
0x56: {  	[tilespmem:s6], [sflag:$0x3] =	stream.linear.gather [hbm4b:s30+s3], $0x1400, $0x38;
	[tilespmem:$0x9F80] =	vst v63  }
0x57: {  	_ =	swait.ge [sflag:s5], $0x1400  }
0x58: {  	[sflag:s5] =	ssyncset.done $0x0  }
0x59: {  	[sflag:s5] =	ssyncadd.s32 $0xFFFFEC00  }
0x5a: {  	[spmem:s2] =	stream.indirect.scatter.add.f32 [tilespmem:s8], [sflag:$0x3], $0x1, s6, s7, $0xb8;
	[tilespmem:$0x9F80] =	vst v63  }
0x5b: {  	_ =	swait.ge [sflag:s5], $0x1400  }
0x5c: {  	[sflag:s5] =	ssyncset.done $0x0  }
0x5d: {  	[sflag:s5] =	ssyncadd.s32 $0xFFFFEC00  }
0x5e: {  	[tilespmem:s6], [sflag:$0x3] =	stream.linear.gather [hbm4b:s31+s3], $0x1400, $0x38;
	[tilespmem:$0x9F80] =	vst v63  }
0x5f: {  	_ =	swait.ge [sflag:s5], $0x1400  }
0x60: {  	[sflag:s5] =	ssyncset.done $0x0  }
0x61: {  	[sflag:s5] =	ssyncadd.s32 $0xFFFFEC00  }
0x62: {  	[spmem:s2] =	stream.indirect.scatter.add.f32 [tilespmem:s8], [sflag:$0x3], $0x1, s6, s7, $0xb8;
	[tilespmem:$0x9F80] =	vst v63  }
0x63: {  	_ =	swait.ge [sflag:s5], $0x1400  }
0x64: {  	[sflag:s5] =	ssyncset.done $0x0  }
0x65: {  	[sflag:s5] =	ssyncadd.s32 $0xFFFFEC00  }
0x66: {  	[tilespmem:s6], [sflag:$0x3] =	stream.linear.gather [hbm4b:s1+s3], $0x1400, $0x38;
	[tilespmem:$0x9F80] =	vst v63  }
0x67: {  	_ =	swait.ge [sflag:s5], $0x1400  }
0x68: {  	[sflag:s5] =	ssyncset.done $0x0  }
0x69: {  	[sflag:s5] =	ssyncadd.s32 $0xFFFFEC00  }
0x6a: {  	[spmem:s2] =	stream.indirect.scatter.add.f32 [tilespmem:s8], [sflag:$0x3], $0x1, s6, s7, $0xb8;
	[tilespmem:$0x9F80] =	vst v63  }
0x6b: {  	_ =	swait.ge [sflag:s5], $0x1400  }
0x6c: {  	[sflag:s5] =	ssyncset.done $0x0  }
0x6d: {  	[sflag:s5] =	ssyncadd.s32 $0xFFFFEC00  }
0x6e: {  	[tilespmem:s6], [sflag:$0x3] =	stream.linear.gather [hbm4b:s0+s3], $0x1400, $0x38;
	[tilespmem:$0x9F80] =	vst v63  }
0x6f: {  	_ =	swait.ge [sflag:s5], $0x1400  }
0x70: {  	[sflag:s5] =	ssyncset.done $0x0  }
0x71: {  	[sflag:s5] =	ssyncadd.s32 $0xFFFFEC00  }
0x72: {  	[spmem:s2] =	stream.indirect.scatter.add.f32 [tilespmem:s8], [sflag:$0x3], $0x1, s6, s7, $0xb8;
	[tilespmem:$0x9F80] =	vst v63  }
0x73: {  	_ =	swait.ge [sflag:s5], $0x1400  }
0x74: {  	[sflag:s5] =	ssyncset.done $0x0  }
0x75: {  	[sflag:s5] =	ssyncadd.s32 $0xFFFFEC00  }
0x76: {  	[tilespmem:s6], [sflag:$0x3] =	stream.linear.gather [hbm4b:s4+s3], $0x1400, $0x38;
	[tilespmem:$0x9F80] =	vst v63  }
0x77: {  	_ =	swait.ge [sflag:s5], $0x1400  }
0x78: {  	[sflag:s5] =	ssyncset.done $0x0  }
0x79: {  	[sflag:s5] =	ssyncadd.s32 $0xFFFFEC00  }
0x7a: {  	[spmem:s2] =	stream.indirect.scatter.add.f32 [tilespmem:s8], [sflag:$0x3], $0x1, s6, s7, $0xb8;
	[tilespmem:$0x9F80] =	vst v63  }
0x7b: {  	_ =	swait.ge [sflag:s5], $0x1400  }
0x7c: {  	s17 =	stileid.u32;
	[sflag:s5] =	ssyncset.done $0x0  }
0x7d: {  	s16 =	sshll.u32 s17, $0x6;
	[sflag:s5] =	ssyncadd.s32 $0xFFFFEC00  }
0x7e: {  	s18 =	sshrl.u32 s21, $0x3;
	s16 =	sor.u32 $0x1C03, s16;
	[bflag:$0x0] =	sbarrier.arrive $0xFFFF  }
0x7f: {  	[hbm:s22], [sflag:s16] =	dma.local [spmem:s18], $0x320  }
0x80: {  	_ =	swait.ge [sflag:s5], $0x320  }
0x81: {  	[sflag:s5] =	ssyncset.done $0x0  }
0x82: {  	s18 =	rddreg [dreg:$0x5];
	[sflag:s5] =	ssyncadd.s32 $0xFFFFFCE0  }
0x83: {  	[tilespmem:s9], [sflag:$0x3] =	stream.linear.gather [hbm4b:s18+s3], $0x80, $0x38;
	[tilespmem:$0x9F80] =	vst v63  }
0x84: {  	_ =	swait.ge [sflag:s5], $0x80  }
0x85: {  	[sflag:s5] =	ssyncset.done $0x0  }
0x86: {  	[sflag:s5] =	ssyncadd.s32 $0xFFFFFF80  }
0x87: {  	[tilespmem:s11], [sflag:$0x1] =	stream.indirect.gather [hbm4b:s20+s10], $0x40, s9, s10, $0xb8;
	[tilespmem:$0x9F80] =	vst v63  }
0x88: {  	_ =	swait.ge [sflag:s12], $0x2000  }
0x89: {  	[sflag:s12] =	ssyncset.done $0x0  }
0x8a: {  	s17 =	rddreg [dreg:$0x6];
	[sflag:s12] =	ssyncadd.s32 $0xFFFFE000  }
0x8b: {  	[tilespmem:s9], [sflag:$0x3] =	stream.linear.gather [hbm4b:s17+s3], $0x80, $0x38;
	[tilespmem:$0x9F80] =	vst v63  }
0x8c: {  	_ =	swait.ge [sflag:s5], $0x80  }
0x8d: {  	[sflag:s5] =	ssyncset.done $0x0  }
0x8e: {  	[sflag:s5] =	ssyncadd.s32 $0xFFFFFF80  }
0x8f: {  	[tilespmem:s13], [sflag:$0x2] =	stream.indirect.gather [hbm4b:s20+s10], $0x40, s9, s10, $0xb8;
	[tilespmem:$0x9F80] =	vst v63  }
0x90: {  	s18 =	rddreg [dreg:$0x7]  }
0x91: {  	[hbm4b:s18+s3] =	stream.linear.scatter [tilespmem:s11], [sflag:$0x3], $0x2000, $0x38;
	[tilespmem:$0x9F80] =	vst v63  }
0x92: {  	_ =	swait.ge [sflag:s5], $0x2000  }
0x93: {  	[sflag:s5] =	ssyncset.done $0x0  }
0x94: {  	[sflag:s5] =	ssyncadd.s32 $0xFFFFE000  }
0x95: {  	_ =	swait.ge [sflag:s14], $0x2000  }
0x96: {  	[sflag:s14] =	ssyncset.done $0x0  }
0x97: {  	s17 =	rddreg [dreg:$0x8];
	[sflag:s14] =	ssyncadd.s32 $0xFFFFE000  }
0x98: {  	[tilespmem:s9], [sflag:$0x3] =	stream.linear.gather [hbm4b:s17+s3], $0x80, $0x38;
	[tilespmem:$0x9F80] =	vst v63  }
0x99: {  	_ =	swait.ge [sflag:s5], $0x80  }
0x9a: {  	[sflag:s5] =	ssyncset.done $0x0  }
0x9b: {  	[sflag:s5] =	ssyncadd.s32 $0xFFFFFF80  }
0x9c: {  	[tilespmem:s11], [sflag:$0x1] =	stream.indirect.gather [hbm4b:s20+s10], $0x40, s9, s10, $0xb8;
	[tilespmem:$0x9F80] =	vst v63  }
0x9d: {  	s18 =	rddreg [dreg:$0x9]  }
0x9e: {  	[hbm4b:s18+s3] =	stream.linear.scatter [tilespmem:s13], [sflag:$0x3], $0x2000, $0x38;
	[tilespmem:$0x9F80] =	vst v63  }
0x9f: {  	_ =	swait.ge [sflag:s5], $0x2000  }
0xa0: {  	[sflag:s5] =	ssyncset.done $0x0  }
0xa1: {  	[sflag:s5] =	ssyncadd.s32 $0xFFFFE000  }
0xa2: {  	_ =	swait.ge [sflag:s12], $0x2000  }
0xa3: {  	[sflag:s12] =	ssyncset.done $0x0  }
0xa4: {  	s17 =	rddreg [dreg:$0x10];
	[sflag:s12] =	ssyncadd.s32 $0xFFFFE000  }
0xa5: {  	[tilespmem:s9], [sflag:$0x3] =	stream.linear.gather [hbm4b:s17+s3], $0x80, $0x38;
	[tilespmem:$0x9F80] =	vst v63  }
0xa6: {  	_ =	swait.ge [sflag:s5], $0x80  }
0xa7: {  	[sflag:s5] =	ssyncset.done $0x0  }
0xa8: {  	[sflag:s5] =	ssyncadd.s32 $0xFFFFFF80  }
0xa9: {  	[tilespmem:s13], [sflag:$0x2] =	stream.indirect.gather [hbm4b:s20+s10], $0x40, s9, s10, $0xb8;
	[tilespmem:$0x9F80] =	vst v63  }
0xaa: {  	s18 =	rddreg [dreg:$0xa]  }
0xab: {  	[hbm4b:s18+s3] =	stream.linear.scatter [tilespmem:s11], [sflag:$0x3], $0x2000, $0x38;
	[tilespmem:$0x9F80] =	vst v63  }
0xac: {  	_ =	swait.ge [sflag:s5], $0x2000  }
0xad: {  	[sflag:s5] =	ssyncset.done $0x0  }
0xae: {  	[sflag:s5] =	ssyncadd.s32 $0xFFFFE000  }
0xaf: {  	_ =	swait.ge [sflag:s14], $0x2000  }
0xb0: {  	[sflag:s14] =	ssyncset.done $0x0  }
0xb1: {  	s17 =	rddreg [dreg:$0x11];
	[sflag:s14] =	ssyncadd.s32 $0xFFFFE000  }
0xb2: {  	[tilespmem:s9], [sflag:$0x3] =	stream.linear.gather [hbm4b:s17+s3], $0x80, $0x38;
	[tilespmem:$0x9F80] =	vst v63  }
0xb3: {  	_ =	swait.ge [sflag:s5], $0x80  }
0xb4: {  	[sflag:s5] =	ssyncset.done $0x0  }
0xb5: {  	[sflag:s5] =	ssyncadd.s32 $0xFFFFFF80  }
0xb6: {  	[tilespmem:s11], [sflag:$0x1] =	stream.indirect.gather [hbm4b:s20+s10], $0x40, s9, s10, $0xb8;
	[tilespmem:$0x9F80] =	vst v63  }
0xb7: {  	s18 =	rddreg [dreg:$0xb]  }
0xb8: {  	[hbm4b:s18+s3] =	stream.linear.scatter [tilespmem:s13], [sflag:$0x3], $0x2000, $0x38;
	[tilespmem:$0x9F80] =	vst v63  }
0xb9: {  	_ =	swait.ge [sflag:s5], $0x2000  }
0xba: {  	[sflag:s5] =	ssyncset.done $0x0  }
0xbb: {  	[sflag:s5] =	ssyncadd.s32 $0xFFFFE000  }
0xbc: {  	_ =	swait.ge [sflag:s12], $0x2000  }
0xbd: {  	[sflag:s12] =	ssyncset.done $0x0  }
0xbe: {  	s17 =	rddreg [dreg:$0x12];
	[sflag:s12] =	ssyncadd.s32 $0xFFFFE000  }
0xbf: {  	[tilespmem:s9], [sflag:$0x3] =	stream.linear.gather [hbm4b:s17+s3], $0x80, $0x38;
	[tilespmem:$0x9F80] =	vst v63  }
0xc0: {  	_ =	swait.ge [sflag:s5], $0x80  }
0xc1: {  	[sflag:s5] =	ssyncset.done $0x0  }
0xc2: {  	[sflag:s5] =	ssyncadd.s32 $0xFFFFFF80  }
0xc3: {  	[tilespmem:s13], [sflag:$0x2] =	stream.indirect.gather [hbm4b:s20+s10], $0x40, s9, s10, $0xb8;
	[tilespmem:$0x9F80] =	vst v63  }
0xc4: {  	s18 =	rddreg [dreg:$0xc]  }
0xc5: {  	[hbm4b:s18+s3] =	stream.linear.scatter [tilespmem:s11], [sflag:$0x3], $0x2000, $0x38;
	[tilespmem:$0x9F80] =	vst v63  }
0xc6: {  	_ =	swait.ge [sflag:s5], $0x2000  }
0xc7: {  	[sflag:s5] =	ssyncset.done $0x0  }
0xc8: {  	[sflag:s5] =	ssyncadd.s32 $0xFFFFE000  }
0xc9: {  	_ =	swait.ge [sflag:s14], $0x2000  }
0xca: {  	[sflag:s14] =	ssyncset.done $0x0  }
0xcb: {  	s17 =	rddreg [dreg:$0x13];
	[sflag:s14] =	ssyncadd.s32 $0xFFFFE000  }
0xcc: {  	[tilespmem:s9], [sflag:$0x3] =	stream.linear.gather [hbm4b:s17+s3], $0x80, $0x38;
	[tilespmem:$0x9F80] =	vst v63  }
0xcd: {  	_ =	swait.ge [sflag:s5], $0x80  }
0xce: {  	[sflag:s5] =	ssyncset.done $0x0  }
0xcf: {  	[sflag:s5] =	ssyncadd.s32 $0xFFFFFF80  }
0xd0: {  	[tilespmem:s11], [sflag:$0x1] =	stream.indirect.gather [hbm4b:s20+s10], $0x40, s9, s10, $0xb8;
	[tilespmem:$0x9F80] =	vst v63  }
0xd1: {  	s18 =	rddreg [dreg:$0xd]  }
0xd2: {  	[hbm4b:s18+s3] =	stream.linear.scatter [tilespmem:s13], [sflag:$0x3], $0x2000, $0x38;
	[tilespmem:$0x9F80] =	vst v63  }
0xd3: {  	_ =	swait.ge [sflag:s5], $0x2000  }
0xd4: {  	[sflag:s5] =	ssyncset.done $0x0  }
0xd5: {  	[sflag:s5] =	ssyncadd.s32 $0xFFFFE000  }
0xd6: {  	_ =	swait.ge [sflag:s12], $0x2000  }
0xd7: {  	[sflag:s12] =	ssyncset.done $0x0  }
0xd8: {  	[sflag:s12] =	ssyncadd.s32 $0xFFFFE000  }
0xd9: {  	[tilespmem:s9], [sflag:$0x3] =	stream.linear.gather [hbm4b:s19+s3], $0x80, $0x38;
	[tilespmem:$0x9F80] =	vst v63  }
0xda: {  	_ =	swait.ge [sflag:s5], $0x80  }
0xdb: {  	[sflag:s5] =	ssyncset.done $0x0  }
0xdc: {  	[sflag:s5] =	ssyncadd.s32 $0xFFFFFF80  }
0xdd: {  	[tilespmem:s13], [sflag:$0x2] =	stream.indirect.gather [hbm4b:s20+s10], $0x40, s9, s10, $0xb8;
	[tilespmem:$0x9F80] =	vst v63  }
0xde: {  	s17 =	rddreg [dreg:$0xe]  }
0xdf: {  	[hbm4b:s17+s3] =	stream.linear.scatter [tilespmem:s11], [sflag:$0x3], $0x2000, $0x38;
	[tilespmem:$0x9F80] =	vst v63  }
0xe0: {  	_ =	swait.ge [sflag:s5], $0x2000  }
0xe1: {  	[sflag:s5] =	ssyncset.done $0x0  }
0xe2: {  	[sflag:s5] =	ssyncadd.s32 $0xFFFFE000  }
0xe3: {  	s15 =	sadd.s32 $0x1, s15;
	_ =	swait.ge [sflag:s14], $0x2000  }
0xe4: {  	p0 =	sne.s32 s15, s23;
	[sflag:s14] =	ssyncset.done $0x0  }
.Ltmp1:
0xe5: {  	s18 =	rddreg [dreg:$0xf];
	[sflag:s14] =	ssyncadd.s32 $0xFFFFE000;
	(pc) =	sbr.rel @p0 .LBB2_1-.Ltmp1, $4  }
0xe6: {  	[hbm4b:s18+s3] =	stream.linear.scatter [tilespmem:s13], [sflag:$0x3], $0x2000, $0x38;
	[tilespmem:$0x9F80] =	vst v63  }
0xe7: {  	_ =	swait.ge [sflag:s5], $0x2000  }
0xe8: {  	[sflag:s5] =	ssyncset.done $0x0  }
0xe9: {  	[sflag:s5] =	ssyncadd.s32 $0xFFFFE000  }
0xea: {  	_ =	sfence.sel $0x180000  }
0xeb: {  	[bflag:$0x0] =	sbarrier.arrive $0xFFFF  }
0xec: {  	_ =	strace $0x90000047  }
0xed: {  	s0 =	stileid.u32;
	[bflag:$0x2] =	sbarrier.arrive $0xFFFF  }
0xee: {  	p0 =	sne.s32 s0, $0x0;
	s0 =	rddreg [dreg:$0x4]  }
0xef: {  	s0 =	sadd.s32 @!p0 $0x100000, s0  }
0xf0: {  	[sflag:s0] =	ssyncadd.tile.s32 @!p0 $0x1;
	_ =	shalt  }
.Lfunc_end2:
_tile_overlayer_lowered:
.L_overlay_start_2:
0xf1: {  	(tag) =	ssettag $0x2  }
0xf2: {  	s0 =	rddreg [dreg:$0x0];
	s2 =	stileid.u32  }
0xf3: {  	s1 =	rddreg [dreg:$0x1];
	p0 =	sne.s32 s2, $0x0  }
0xf4: {  	s3 =	rddreg [dreg:$0x2];
	[bflag:$0x3] =	sbarrier.arrive $0xFFFF;
	s2 =	simm.s32 @!p0 $0x1C03  }
0xf5: {  	[timem:s3], [sflag:s2] =	dma.local @!p0 [hbm:s0], s1  }
0xf6: {  	s0 =	simm.s32 @!p0 $0x3  }
0xf7: {  	_ =	swait.ge @!p0 [sflag:s0], s1  }
0xf8: {  	s1 =	ssub.s32 @!p0 $0x0, s1;
	[sflag:s0] =	ssyncset.done @!p0 $0x0  }
0xf9: {  	[sflag:s0] =	ssyncadd.s32 @!p0 s1  }
0xfa: {  	[bflag:$0x3] =	sbarrier.arrive $0xFFFF  }
0xfb: {  	_ =	shalt  }

</sc_bundles>
